<compile_context>
chip_gen: v7x
topology: tpu7x:2x2x1
jax: 0.10.2.dev20260603
libtpu: 0.0.44.dev20260713+nightly
codegen_flags: <defaults>
</compile_context>

<pallas_src>
import functools

import jax
import jax.numpy as jnp
from jax import lax
from jax.experimental import pallas as pl
from jax.experimental.pallas import tpu as pltpu, tpu_sc as plsc

_TOP_K1 = 1024
_TOP_K2 = 512
_INT_MIN = -2147483648


def _l2_body(vals_ref, ws_ref, bs_ref, vs_ref, attns_ref, probs_ref, *, k2):
    wh = ws_ref[0]
    nb = vals_ref.shape[0]
    lins, ss = [], []
    for bb in range(nb):
        x = vals_ref[bb]
        lin = (jnp.dot(x, wh) + bs_ref[0]) * vs_ref[0]
        lins.append(lin)
        ss.append(jnp.sum(lin, axis=-1))

    s = jnp.stack(ss, axis=0)
    m = jnp.max(s, axis=1, keepdims=True)
    e = jnp.exp(s - m)
    probs_ref[0, :, :] = e / jnp.sum(e, axis=1, keepdims=True)

    bits = jax.lax.bitcast_convert_type(s, jnp.int32)
    key = jnp.where(bits >= 0, bits, bits ^ jnp.int32(0x7FFFFFFF))
    nneg = jnp.sum((key >= 0).astype(jnp.int32), axis=1, keepdims=True)
    t = jnp.where(nneg >= k2, jnp.int32(0), jnp.int32(_INT_MIN))
    for i in range(31):
        cand = t + jnp.int32(1 << (30 - i))
        cnt = jnp.sum((key >= cand).astype(jnp.int32), axis=1, keepdims=True)
        t = jnp.where(cnt >= k2, cand, t)

    for bb in range(nb):
        bits_b = jax.lax.bitcast_convert_type(ss[bb], jnp.int32)
        key_b = jnp.where(bits_b >= 0, bits_b, bits_b ^ jnp.int32(0x7FFFFFFF))
        mask = key_b >= t[bb, 0]
        sel = jnp.where(mask[:, None], lins[bb], jnp.float32(-jnp.inf))
        attns_ref[0, bb, :] = jnp.max(sel, axis=0)


def _level2(vals, ws, bs, vs, k2):
    B, K1, D = vals.shape
    H, _, A = ws.shape
    bs2 = bs.reshape(H, 1, A)
    vs2 = vs.reshape(H, 1, A)
    attns4, probs4 = pl.pallas_call(
        functools.partial(_l2_body, k2=k2),
        grid=(H,),
        in_specs=[
            pl.BlockSpec((B, K1, D), lambda h: (0, 0, 0)),
            pl.BlockSpec((1, D, A), lambda h: (h, 0, 0)),
            pl.BlockSpec((1, 1, A), lambda h: (h, 0, 0)),
            pl.BlockSpec((1, 1, A), lambda h: (h, 0, 0)),
        ],
        out_specs=[
            pl.BlockSpec((1, B, A), lambda h: (h, 0, 0)),
            pl.BlockSpec((1, B, K1), lambda h: (h, 0, 0)),
        ],
        out_shape=[
            jax.ShapeDtypeStruct((H, B, A), jnp.float32),
            jax.ShapeDtypeStruct((H, B, K1), jnp.float32),
        ],
    )(vals, ws, bs2, vs2)
    return (jnp.transpose(attns4, (1, 0, 2)),
            jnp.transpose(probs4, (1, 0, 2)))


def _sc_gather_rows(table, idx):
    info = plsc.get_sparse_core_info()
    nw = info.num_cores * info.num_subcores
    n, d = idx.shape[0], table.shape[1]
    b_per_w = n // nw
    ch = min(b_per_w, 64)
    mesh = plsc.VectorSubcoreMesh(core_axis_name="c", subcore_axis_name="s")

    @functools.partial(
        pl.kernel, mesh=mesh,
        out_type=jax.ShapeDtypeStruct((n, d), jnp.float32),
        scratch_types=[
            pltpu.VMEM((ch,), jnp.int32),
            pltpu.VMEM((ch, d), jnp.float32),
            pltpu.SemaphoreType.DMA,
        ],
    )
    def k(table_hbm, idx_hbm, out_hbm, idx_v, rows_v, sem):
        wid = lax.axis_index("s") * info.num_cores + lax.axis_index("c")
        base = wid * b_per_w
        for c in range(b_per_w // ch):
            off = base + c * ch
            pltpu.sync_copy(idx_hbm.at[pl.ds(off, ch)], idx_v)
            pltpu.async_copy(table_hbm.at[idx_v], rows_v, sem).wait()
            pltpu.sync_copy(rows_v, out_hbm.at[pl.ds(off, ch)])

    return k(table, idx)


def kernel(memory, w, b, v, ws, bs, vs):
    B, S, D = memory.shape
    k1 = min(_TOP_K1, S)
    k2 = min(_TOP_K2, k1)
    lin0 = (jnp.einsum('bsd,da->bsa', memory, w) + b) * v
    probs0 = jax.nn.softmax(jnp.sum(lin0, -1), axis=-1)
    _, ind1 = jax.lax.top_k(probs0, k1)
    flat_idx = (ind1 + (jnp.arange(B, dtype=ind1.dtype) * S)[:, None]).reshape(-1)
    vals = _sc_gather_rows(memory.reshape(B * S, D), flat_idx).reshape(B, k1, D)
    attns, probs = _level2(vals, ws, bs, vs, k2)
    return attns, probs, ind1

# --- scband reference (transcript-rebuilt; emitter-appended) ---
"""Pipeline reference for scband-two-level-selective-hard-attn-layer-73821897883845 (READ-ONLY COPY).

The authoritative reference and input builder live on the scoring server;
editing this copy changes nothing except your own understanding.
"""

import jax, jax.numpy as jnp
import numpy as np

B, S, IN_DIM = 4, 4096, 1024
ATTN_SIZE = 1024
NUM_HEADS = 16
TOP_K1 = 1024
TOP_K2 = 512


def _xavier(key, shape, fan_in, fan_out):
    limit = np.sqrt(6.0 / (fan_in + fan_out))
    return jax.random.uniform(key, shape, minval=-limit, maxval=limit, dtype=jnp.float32)


def setup_inputs(seed: int = 0) -> dict:
    key = jax.random.key(seed)
    ks = jax.random.split(key, 6)
    memory = jax.random.normal(ks[0], (B, S, IN_DIM), dtype=jnp.float32)
    # level-1 params
    w = _xavier(ks[1], (IN_DIM, ATTN_SIZE), IN_DIM, ATTN_SIZE)
    b = jnp.zeros((ATTN_SIZE,), jnp.float32)
    v = _xavier(ks[2], (ATTN_SIZE,), 1, ATTN_SIZE)  # original shape [1,1,attn_size]
    # per-head level-2 params (stacked over heads)
    ws = _xavier(ks[3], (NUM_HEADS, IN_DIM, ATTN_SIZE), IN_DIM, ATTN_SIZE)
    bs = jnp.zeros((NUM_HEADS, ATTN_SIZE), jnp.float32)
    vs = _xavier(ks[4], (NUM_HEADS, ATTN_SIZE), 1, ATTN_SIZE)
    return {"memory": memory, "w": w, "b": b, "v": v, "ws": ws, "bs": bs, "vs": vs}


def topk_select(vals_ref, vals_from, top_k):
    k = min(top_k, vals_ref.shape[1])
    refs, indices = jax.lax.top_k(vals_ref, k)
    vals = jnp.take_along_axis(vals_from, indices[:, :, None], axis=1)
    return refs, vals, indices


def reference(memory, w, b, v, ws, bs, vs):
    # level-1 scoring over all tokens
    lin0 = (jnp.einsum('bsd,da->bsa', memory, w) + b) * v
    probs0 = jax.nn.softmax(jnp.sum(lin0, -1), axis=-1)  # [B, S]
    _, vals, ind1 = topk_select(probs0, memory, TOP_K1)  # vals: [B, k1, in_dim]
    probs = []
    attns = []
    for h in range(NUM_HEADS):
        lin1 = (jnp.einsum('bkd,da->bka', vals, ws[h]) + bs[h]) * vs[h]  # [B, k1, attn]
        prob = jax.nn.softmax(jnp.sum(lin1, -1), axis=-1)  # [B, k1]
        _, attn, _ = topk_select(prob, lin1, TOP_K2)  # [B, k2, attn]
        probs.append(prob)
        attns.append(attn)
    probs = jnp.transpose(jnp.stack(probs), (1, 0, 2))      # [B, H, k1]
    attns = jnp.transpose(jnp.stack(attns), (1, 0, 2, 3))   # [B, H, k2, attn]
    attns = jnp.max(attns, axis=2)                           # [B, H, attn]
    return attns, probs, ind1

if __name__ == "__main__":
    import jax
    _d = setup_inputs()
    print(jax.jit(kernel)(*tuple(_d.values())))

</pallas_src>

<mosaic_0001>
#map = affine_map<(d0, d1) -> (0, 0)>
#map1 = affine_map<(d0, d1) -> (0)>
module attributes {stable_mosaic.version = 14 : i64} {
  func.func @k(%arg0: i32, %arg1: i32, %arg2: memref<16384x1024xf32, #tpu.memory_space<hbm>>, %arg3: memref<4096xi32, #tpu.memory_space<hbm>>, %arg4: memref<4096x1024xf32, #tpu.memory_space<hbm>>, %arg5: memref<64xi32, #tpu.memory_space<vmem>>, %arg6: memref<64x1024xf32, #tpu.memory_space<vmem>>, %arg7: memref<!tpu.dma_semaphore, #tpu.memory_space<semaphore_mem>>) attributes {dimension_semantics = [#tpu.dimension_semantics<core_parallel>, #tpu.dimension_semantics<subcore_parallel>], iteration_bounds = array<i64: 2, 16>, scalar_prefetch = 0 : i64, scratch_operands = 3 : i64, tpu.core_type = #tpu.core_type<sc_vector_subcore>, window_params = [{transform_indices = #map}, {transform_indices = #map1}, {transform_indices = #map}]} {
    %mul3A = arith.constant 2 : i32
    %mul3A_0 = arith.muli %arg1, %mul3A : i32
    %add3A = arith.addi %mul3A_0, %arg0 : i32
    %mul3A_1 = arith.constant 128 : i32
    %mul3A_2 = arith.muli %add3A, %mul3A_1 : i32
    %add3A_3 = arith.constant 0 : i32
    %add3A_4 = arith.addi %mul3A_2, %add3A_3 : i32
    "tpu.region"() ({
      %run_scoped3A = tpu.sem_alloc : memref<!tpu.dma_semaphore, #tpu.memory_space<semaphore_mem>>
      %dma_start3A_17 = tpu.memref_slice %arg3[%add3A_4] : memref<4096xi32, #tpu.memory_space<hbm>> -> memref<64xi32, #tpu.memory_space<hbm>>
      %dma_start3A_18 = tpu.memref_slice %arg3[%add3A_4] : memref<4096xi32, #tpu.memory_space<hbm>> -> memref<64xi32, #tpu.memory_space<hbm>>
      tpu.enqueue_dma source(%dma_start3A_18 : memref<64xi32, #tpu.memory_space<hbm>>) target(%arg5 : memref<64xi32, #tpu.memory_space<vmem>>) target_semaphore(%run_scoped3A : memref<!tpu.dma_semaphore, #tpu.memory_space<semaphore_mem>>)
      %dma_wait3A_19 = tpu.memref_slice %arg3[%add3A_4] : memref<4096xi32, #tpu.memory_space<hbm>> -> memref<64xi32, #tpu.memory_space<hbm>>
      %dma_wait3A_20 = tpu.memref_slice %arg3[%add3A_4] : memref<4096xi32, #tpu.memory_space<hbm>> -> memref<64xi32, #tpu.memory_space<hbm>>
      tpu.wait_dma2 semaphore(%run_scoped3A : memref<!tpu.dma_semaphore, #tpu.memory_space<semaphore_mem>>) src(%dma_wait3A_20 : memref<64xi32, #tpu.memory_space<hbm>>) dst(%arg5 : memref<64xi32, #tpu.memory_space<vmem>>)
      tpu.yield
    }) : () -> ()
    %dma_start3A = arith.constant 0 : i32
    %dma_start3A_5 = arith.constant 0 : i32
    %dma_start3A_6 = tpu.memref_slice %arg2[%dma_start3A, %dma_start3A_5] : memref<16384x1024xf32, #tpu.memory_space<hbm>> -> memref<16384x1024xf32, #tpu.memory_space<hbm>>
    tpu.enqueue_indirect_dma source(%dma_start3A_6 : memref<16384x1024xf32, #tpu.memory_space<hbm>>) target(%arg6 : memref<64x1024xf32, #tpu.memory_space<vmem>>) offsets(%arg5 : memref<64xi32, #tpu.memory_space<vmem>>) semaphore(%arg7 : memref<!tpu.dma_semaphore, #tpu.memory_space<semaphore_mem>>)
    %dma_wait3A = arith.constant 0 : i32
    %dma_wait3A_7 = arith.constant 0 : i32
    %dma_wait3A_8 = tpu.memref_slice %arg2[%dma_wait3A, %dma_wait3A_7] : memref<16384x1024xf32, #tpu.memory_space<hbm>> -> memref<16384x1024xf32, #tpu.memory_space<hbm>>
    tpu.wait_indirect_dma semaphore(%arg7 : memref<!tpu.dma_semaphore, #tpu.memory_space<semaphore_mem>>) src(%dma_wait3A_8 : memref<16384x1024xf32, #tpu.memory_space<hbm>>) dst(%arg6 : memref<64x1024xf32, #tpu.memory_space<vmem>>)
    "tpu.region"() ({
      %run_scoped3A = tpu.sem_alloc : memref<!tpu.dma_semaphore, #tpu.memory_space<semaphore_mem>>
      %dma_start3A_17 = arith.constant 0 : i32
      %dma_start3A_18 = tpu.memref_slice %arg4[%add3A_4, %dma_start3A_17] : memref<4096x1024xf32, #tpu.memory_space<hbm>> -> memref<64x1024xf32, #tpu.memory_space<hbm>>
      %dma_start3A_19 = arith.constant 0 : i32
      %dma_start3A_20 = tpu.memref_slice %arg4[%add3A_4, %dma_start3A_19] : memref<4096x1024xf32, #tpu.memory_space<hbm>> -> memref<64x1024xf32, #tpu.memory_space<hbm>>
      tpu.enqueue_dma source(%arg6 : memref<64x1024xf32, #tpu.memory_space<vmem>>) target(%dma_start3A_20 : memref<64x1024xf32, #tpu.memory_space<hbm>>) target_semaphore(%run_scoped3A : memref<!tpu.dma_semaphore, #tpu.memory_space<semaphore_mem>>)
      %dma_wait3A_21 = arith.constant 0 : i32
      %dma_wait3A_22 = tpu.memref_slice %arg4[%add3A_4, %dma_wait3A_21] : memref<4096x1024xf32, #tpu.memory_space<hbm>> -> memref<64x1024xf32, #tpu.memory_space<hbm>>
      %dma_wait3A_23 = arith.constant 0 : i32
      %dma_wait3A_24 = tpu.memref_slice %arg4[%add3A_4, %dma_wait3A_23] : memref<4096x1024xf32, #tpu.memory_space<hbm>> -> memref<64x1024xf32, #tpu.memory_space<hbm>>
      tpu.wait_dma2 semaphore(%run_scoped3A : memref<!tpu.dma_semaphore, #tpu.memory_space<semaphore_mem>>) src(%arg6 : memref<64x1024xf32, #tpu.memory_space<vmem>>) dst(%dma_wait3A_24 : memref<64x1024xf32, #tpu.memory_space<hbm>>)
      tpu.yield
    }) : () -> ()
    %add3A_9 = arith.constant 64 : i32
    %add3A_10 = arith.addi %mul3A_2, %add3A_9 : i32
    "tpu.region"() ({
      %run_scoped3A = tpu.sem_alloc : memref<!tpu.dma_semaphore, #tpu.memory_space<semaphore_mem>>
      %dma_start3A_17 = tpu.memref_slice %arg3[%add3A_10] : memref<4096xi32, #tpu.memory_space<hbm>> -> memref<64xi32, #tpu.memory_space<hbm>>
      %dma_start3A_18 = tpu.memref_slice %arg3[%add3A_10] : memref<4096xi32, #tpu.memory_space<hbm>> -> memref<64xi32, #tpu.memory_space<hbm>>
      tpu.enqueue_dma source(%dma_start3A_18 : memref<64xi32, #tpu.memory_space<hbm>>) target(%arg5 : memref<64xi32, #tpu.memory_space<vmem>>) target_semaphore(%run_scoped3A : memref<!tpu.dma_semaphore, #tpu.memory_space<semaphore_mem>>)
      %dma_wait3A_19 = tpu.memref_slice %arg3[%add3A_10] : memref<4096xi32, #tpu.memory_space<hbm>> -> memref<64xi32, #tpu.memory_space<hbm>>
      %dma_wait3A_20 = tpu.memref_slice %arg3[%add3A_10] : memref<4096xi32, #tpu.memory_space<hbm>> -> memref<64xi32, #tpu.memory_space<hbm>>
      tpu.wait_dma2 semaphore(%run_scoped3A : memref<!tpu.dma_semaphore, #tpu.memory_space<semaphore_mem>>) src(%dma_wait3A_20 : memref<64xi32, #tpu.memory_space<hbm>>) dst(%arg5 : memref<64xi32, #tpu.memory_space<vmem>>)
      tpu.yield
    }) : () -> ()
    %dma_start3A_11 = arith.constant 0 : i32
    %dma_start3A_12 = arith.constant 0 : i32
    %dma_start3A_13 = tpu.memref_slice %arg2[%dma_start3A_11, %dma_start3A_12] : memref<16384x1024xf32, #tpu.memory_space<hbm>> -> memref<16384x1024xf32, #tpu.memory_space<hbm>>
    tpu.enqueue_indirect_dma source(%dma_start3A_13 : memref<16384x1024xf32, #tpu.memory_space<hbm>>) target(%arg6 : memref<64x1024xf32, #tpu.memory_space<vmem>>) offsets(%arg5 : memref<64xi32, #tpu.memory_space<vmem>>) semaphore(%arg7 : memref<!tpu.dma_semaphore, #tpu.memory_space<semaphore_mem>>)
    %dma_wait3A_14 = arith.constant 0 : i32
    %dma_wait3A_15 = arith.constant 0 : i32
    %dma_wait3A_16 = tpu.memref_slice %arg2[%dma_wait3A_14, %dma_wait3A_15] : memref<16384x1024xf32, #tpu.memory_space<hbm>> -> memref<16384x1024xf32, #tpu.memory_space<hbm>>
    tpu.wait_indirect_dma semaphore(%arg7 : memref<!tpu.dma_semaphore, #tpu.memory_space<semaphore_mem>>) src(%dma_wait3A_16 : memref<16384x1024xf32, #tpu.memory_space<hbm>>) dst(%arg6 : memref<64x1024xf32, #tpu.memory_space<vmem>>)
    "tpu.region"() ({
      %run_scoped3A = tpu.sem_alloc : memref<!tpu.dma_semaphore, #tpu.memory_space<semaphore_mem>>
      %dma_start3A_17 = arith.constant 0 : i32
      %dma_start3A_18 = tpu.memref_slice %arg4[%add3A_10, %dma_start3A_17] : memref<4096x1024xf32, #tpu.memory_space<hbm>> -> memref<64x1024xf32, #tpu.memory_space<hbm>>
      %dma_start3A_19 = arith.constant 0 : i32
      %dma_start3A_20 = tpu.memref_slice %arg4[%add3A_10, %dma_start3A_19] : memref<4096x1024xf32, #tpu.memory_space<hbm>> -> memref<64x1024xf32, #tpu.memory_space<hbm>>
      tpu.enqueue_dma source(%arg6 : memref<64x1024xf32, #tpu.memory_space<vmem>>) target(%dma_start3A_20 : memref<64x1024xf32, #tpu.memory_space<hbm>>) target_semaphore(%run_scoped3A : memref<!tpu.dma_semaphore, #tpu.memory_space<semaphore_mem>>)
      %dma_wait3A_21 = arith.constant 0 : i32
      %dma_wait3A_22 = tpu.memref_slice %arg4[%add3A_10, %dma_wait3A_21] : memref<4096x1024xf32, #tpu.memory_space<hbm>> -> memref<64x1024xf32, #tpu.memory_space<hbm>>
      %dma_wait3A_23 = arith.constant 0 : i32
      %dma_wait3A_24 = tpu.memref_slice %arg4[%add3A_10, %dma_wait3A_23] : memref<4096x1024xf32, #tpu.memory_space<hbm>> -> memref<64x1024xf32, #tpu.memory_space<hbm>>
      tpu.wait_dma2 semaphore(%run_scoped3A : memref<!tpu.dma_semaphore, #tpu.memory_space<semaphore_mem>>) src(%arg6 : memref<64x1024xf32, #tpu.memory_space<vmem>>) dst(%dma_wait3A_24 : memref<64x1024xf32, #tpu.memory_space<hbm>>)
      tpu.yield
    }) : () -> ()
    return
  }
}

module attributes {stable_mosaic.version = 14 : i64} {
  func.func @_l2_body(%arg0: i32, %arg1: memref<4x1024x1024xf32, #tpu.memory_space<vmem>>, %arg2: memref<1x1024x1024xf32, #tpu.memory_space<vmem>>, %arg3: memref<1x1x1024xf32, #tpu.memory_space<vmem>>, %arg4: memref<1x1x1024xf32, #tpu.memory_space<vmem>>, %arg5: memref<1x4x1024xf32, #tpu.memory_space<vmem>>, %arg6: memref<1x4x1024xf32, #tpu.memory_space<vmem>>) attributes {dimension_semantics = [#tpu.dimension_semantics<arbitrary>], iteration_bounds = array<i64: 16>, scalar_prefetch = 0 : i64, scratch_operands = 0 : i64, tpu.core_type = #tpu.core_type<tc>, window_params = [{pipeline_mode = #tpu.pipeline_mode<synchronous>, transform_indices = @transform_0, window_bounds = array<i64: 4, 1024, 1024>}, {transform_indices = @transform_1, window_bounds = array<i64: 1, 1024, 1024>}, {transform_indices = @transform_2, window_bounds = array<i64: 1, 1, 1024>}, {transform_indices = @transform_3, window_bounds = array<i64: 1, 1, 1024>}, {transform_indices = @transform_4, window_bounds = array<i64: 1, 4, 1024>}, {transform_indices = @transform_5, window_bounds = array<i64: 1, 4, 1024>}]} {
    %get3A = arith.constant 0 : index
    %get3A_0 = arith.constant 0 : index
    %get3A_1 = arith.constant 0 : index
    %get3A_2 = vector.load %arg2[%get3A, %get3A_0, %get3A_1] : memref<1x1024x1024xf32, #tpu.memory_space<vmem>>, vector<1x1024x1024xf32>
    %get3A_3 = vector.shape_cast %get3A_2 : vector<1x1024x1024xf32> to vector<1024x1024xf32>
    %get3A_4 = arith.constant 0 : index
    %get3A_5 = arith.constant 0 : index
    %get3A_6 = arith.constant 0 : index
    %get3A_7 = vector.load %arg1[%get3A_4, %get3A_5, %get3A_6] : memref<4x1024x1024xf32, #tpu.memory_space<vmem>>, vector<1x1024x1024xf32>
    %get3A_8 = vector.shape_cast %get3A_7 : vector<1x1024x1024xf32> to vector<1024x1024xf32>
    %dot_general3A = arith.constant dense<0.000000e+00> : vector<1024x1024xf32>
    %dot_general3A_9 = tpu.matmul %get3A_8, %get3A_3, %dot_general3A {dimension_numbers = #tpu.dot_dimension_numbers<[1], [0], [0], [1], [0, 0, 1, 1], [], []>, transpose_lhs_hint = false} : vector<1024x1024xf32>, vector<1024x1024xf32>, vector<1024x1024xf32> -> vector<1024x1024xf32>
    %get3A_10 = arith.constant 0 : index
    %get3A_11 = arith.constant 0 : index
    %get3A_12 = arith.constant 0 : index
    %get3A_13 = vector.load %arg3[%get3A_10, %get3A_11, %get3A_12] : memref<1x1x1024xf32, #tpu.memory_space<vmem>>, vector<1x1x1024xf32>
    %get3A_14 = vector.shape_cast %get3A_13 : vector<1x1x1024xf32> to vector<1x1024xf32>
    %add3A = vector.broadcast %get3A_14 : vector<1x1024xf32> to vector<1024x1024xf32>
    %add3A_15 = arith.addf %dot_general3A_9, %add3A : vector<1024x1024xf32>
    %get3A_16 = arith.constant 0 : index
    %get3A_17 = arith.constant 0 : index
    %get3A_18 = arith.constant 0 : index
    %get3A_19 = vector.load %arg4[%get3A_16, %get3A_17, %get3A_18] : memref<1x1x1024xf32, #tpu.memory_space<vmem>>, vector<1x1x1024xf32>
    %get3A_20 = vector.shape_cast %get3A_19 : vector<1x1x1024xf32> to vector<1x1024xf32>
    %mul3A = vector.broadcast %get3A_20 : vector<1x1024xf32> to vector<1024x1024xf32>
    %mul3A_21 = arith.mulf %add3A_15, %mul3A : vector<1024x1024xf32>
    %reduce_sum3A = arith.constant dense<0.000000e+00> : vector<1024xf32>
    %reduce_sum3A_22 = vector.multi_reduction <add>, %mul3A_21, %reduce_sum3A [1] : vector<1024x1024xf32> to vector<1024xf32>
    %get3A_23 = arith.constant 1 : index
    %get3A_24 = arith.constant 0 : index
    %get3A_25 = arith.constant 0 : index
    %get3A_26 = vector.load %arg1[%get3A_23, %get3A_24, %get3A_25] : memref<4x1024x1024xf32, #tpu.memory_space<vmem>>, vector<1x1024x1024xf32>
    %get3A_27 = vector.shape_cast %get3A_26 : vector<1x1024x1024xf32> to vector<1024x1024xf32>
    %dot_general3A_28 = arith.constant dense<0.000000e+00> : vector<1024x1024xf32>
    %dot_general3A_29 = tpu.matmul %get3A_27, %get3A_3, %dot_general3A_28 {dimension_numbers = #tpu.dot_dimension_numbers<[1], [0], [0], [1], [0, 0, 1, 1], [], []>, transpose_lhs_hint = false} : vector<1024x1024xf32>, vector<1024x1024xf32>, vector<1024x1024xf32> -> vector<1024x1024xf32>
    %get3A_30 = arith.constant 0 : index
    %get3A_31 = arith.constant 0 : index
    %get3A_32 = arith.constant 0 : index
    %get3A_33 = vector.load %arg3[%get3A_30, %get3A_31, %get3A_32] : memref<1x1x1024xf32, #tpu.memory_space<vmem>>, vector<1x1x1024xf32>
    %get3A_34 = vector.shape_cast %get3A_33 : vector<1x1x1024xf32> to vector<1x1024xf32>
    %add3A_35 = vector.broadcast %get3A_34 : vector<1x1024xf32> to vector<1024x1024xf32>
    %add3A_36 = arith.addf %dot_general3A_29, %add3A_35 : vector<1024x1024xf32>
    %get3A_37 = arith.constant 0 : index
    %get3A_38 = arith.constant 0 : index
    %get3A_39 = arith.constant 0 : index
    %get3A_40 = vector.load %arg4[%get3A_37, %get3A_38, %get3A_39] : memref<1x1x1024xf32, #tpu.memory_space<vmem>>, vector<1x1x1024xf32>
    %get3A_41 = vector.shape_cast %get3A_40 : vector<1x1x1024xf32> to vector<1x1024xf32>
    %mul3A_42 = vector.broadcast %get3A_41 : vector<1x1024xf32> to vector<1024x1024xf32>
    %mul3A_43 = arith.mulf %add3A_36, %mul3A_42 : vector<1024x1024xf32>
    %reduce_sum3A_44 = arith.constant dense<0.000000e+00> : vector<1024xf32>
    %reduce_sum3A_45 = vector.multi_reduction <add>, %mul3A_43, %reduce_sum3A_44 [1] : vector<1024x1024xf32> to vector<1024xf32>
    %get3A_46 = arith.constant 2 : index
    %get3A_47 = arith.constant 0 : index
    %get3A_48 = arith.constant 0 : index
    %get3A_49 = vector.load %arg1[%get3A_46, %get3A_47, %get3A_48] : memref<4x1024x1024xf32, #tpu.memory_space<vmem>>, vector<1x1024x1024xf32>
    %get3A_50 = vector.shape_cast %get3A_49 : vector<1x1024x1024xf32> to vector<1024x1024xf32>
    %dot_general3A_51 = arith.constant dense<0.000000e+00> : vector<1024x1024xf32>
    %dot_general3A_52 = tpu.matmul %get3A_50, %get3A_3, %dot_general3A_51 {dimension_numbers = #tpu.dot_dimension_numbers<[1], [0], [0], [1], [0, 0, 1, 1], [], []>, transpose_lhs_hint = false} : vector<1024x1024xf32>, vector<1024x1024xf32>, vector<1024x1024xf32> -> vector<1024x1024xf32>
    %get3A_53 = arith.constant 0 : index
    %get3A_54 = arith.constant 0 : index
    %get3A_55 = arith.constant 0 : index
    %get3A_56 = vector.load %arg3[%get3A_53, %get3A_54, %get3A_55] : memref<1x1x1024xf32, #tpu.memory_space<vmem>>, vector<1x1x1024xf32>
    %get3A_57 = vector.shape_cast %get3A_56 : vector<1x1x1024xf32> to vector<1x1024xf32>
    %add3A_58 = vector.broadcast %get3A_57 : vector<1x1024xf32> to vector<1024x1024xf32>
    %add3A_59 = arith.addf %dot_general3A_52, %add3A_58 : vector<1024x1024xf32>
    %get3A_60 = arith.constant 0 : index
    %get3A_61 = arith.constant 0 : index
    %get3A_62 = arith.constant 0 : index
    %get3A_63 = vector.load %arg4[%get3A_60, %get3A_61, %get3A_62] : memref<1x1x1024xf32, #tpu.memory_space<vmem>>, vector<1x1x1024xf32>
    %get3A_64 = vector.shape_cast %get3A_63 : vector<1x1x1024xf32> to vector<1x1024xf32>
    %mul3A_65 = vector.broadcast %get3A_64 : vector<1x1024xf32> to vector<1024x1024xf32>
    %mul3A_66 = arith.mulf %add3A_59, %mul3A_65 : vector<1024x1024xf32>
    %reduce_sum3A_67 = arith.constant dense<0.000000e+00> : vector<1024xf32>
    %reduce_sum3A_68 = vector.multi_reduction <add>, %mul3A_66, %reduce_sum3A_67 [1] : vector<1024x1024xf32> to vector<1024xf32>
    %get3A_69 = arith.constant 3 : index
    %get3A_70 = arith.constant 0 : index
    %get3A_71 = arith.constant 0 : index
    %get3A_72 = vector.load %arg1[%get3A_69, %get3A_70, %get3A_71] : memref<4x1024x1024xf32, #tpu.memory_space<vmem>>, vector<1x1024x1024xf32>
    %get3A_73 = vector.shape_cast %get3A_72 : vector<1x1024x1024xf32> to vector<1024x1024xf32>
    %dot_general3A_74 = arith.constant dense<0.000000e+00> : vector<1024x1024xf32>
    %dot_general3A_75 = tpu.matmul %get3A_73, %get3A_3, %dot_general3A_74 {dimension_numbers = #tpu.dot_dimension_numbers<[1], [0], [0], [1], [0, 0, 1, 1], [], []>, transpose_lhs_hint = false} : vector<1024x1024xf32>, vector<1024x1024xf32>, vector<1024x1024xf32> -> vector<1024x1024xf32>
    %get3A_76 = arith.constant 0 : index
    %get3A_77 = arith.constant 0 : index
    %get3A_78 = arith.constant 0 : index
    %get3A_79 = vector.load %arg3[%get3A_76, %get3A_77, %get3A_78] : memref<1x1x1024xf32, #tpu.memory_space<vmem>>, vector<1x1x1024xf32>
    %get3A_80 = vector.shape_cast %get3A_79 : vector<1x1x1024xf32> to vector<1x1024xf32>
    %add3A_81 = vector.broadcast %get3A_80 : vector<1x1024xf32> to vector<1024x1024xf32>
    %add3A_82 = arith.addf %dot_general3A_75, %add3A_81 : vector<1024x1024xf32>
    %get3A_83 = arith.constant 0 : index
    %get3A_84 = arith.constant 0 : index
    %get3A_85 = arith.constant 0 : index
    %get3A_86 = vector.load %arg4[%get3A_83, %get3A_84, %get3A_85] : memref<1x1x1024xf32, #tpu.memory_space<vmem>>, vector<1x1x1024xf32>
    %get3A_87 = vector.shape_cast %get3A_86 : vector<1x1x1024xf32> to vector<1x1024xf32>
    %mul3A_88 = vector.broadcast %get3A_87 : vector<1x1024xf32> to vector<1024x1024xf32>
    %mul3A_89 = arith.mulf %add3A_82, %mul3A_88 : vector<1024x1024xf32>
    %reduce_sum3A_90 = arith.constant dense<0.000000e+00> : vector<1024xf32>
    %reduce_sum3A_91 = vector.multi_reduction <add>, %mul3A_89, %reduce_sum3A_90 [1] : vector<1024x1024xf32> to vector<1024xf32>
    %stack3A = vector.shape_cast %reduce_sum3A_22 : vector<1024xf32> to vector<1x1024xf32>
    %stack3A_92 = vector.shape_cast %reduce_sum3A_45 : vector<1024xf32> to vector<1x1024xf32>
    %stack3A_93 = vector.shape_cast %reduce_sum3A_68 : vector<1024xf32> to vector<1x1024xf32>
    %stack3A_94 = vector.shape_cast %reduce_sum3A_91 : vector<1024xf32> to vector<1x1024xf32>
    %stack3A_95 = tpu.concatenate %stack3A, %stack3A_92, %stack3A_93, %stack3A_94 in 0 : vector<1x1024xf32>, vector<1x1024xf32>, vector<1x1024xf32>, vector<1x1024xf32> -> vector<4x1024xf32>
    %reduce_max3A = arith.constant dense<0xFF800000> : vector<4xf32>
    %reduce_max3A_96 = vector.multi_reduction <maximumf>, %stack3A_95, %reduce_max3A [1] : vector<4x1024xf32> to vector<4xf32>
    %broadcast_in_dim3A = vector.shape_cast %reduce_max3A_96 : vector<4xf32> to vector<4x1xf32>
    %sub3A = vector.broadcast %broadcast_in_dim3A : vector<4x1xf32> to vector<4x1024xf32>
    %sub3A_97 = arith.subf %stack3A_95, %sub3A : vector<4x1024xf32>
    %exp3A = math.exp %sub3A_97 : vector<4x1024xf32>
    %reduce_sum3A_98 = arith.constant dense<0.000000e+00> : vector<4xf32>
    %reduce_sum3A_99 = vector.multi_reduction <add>, %exp3A, %reduce_sum3A_98 [1] : vector<4x1024xf32> to vector<4xf32>
    %broadcast_in_dim3A_100 = vector.shape_cast %reduce_sum3A_99 : vector<4xf32> to vector<4x1xf32>
    %div3A = vector.broadcast %broadcast_in_dim3A_100 : vector<4x1xf32> to vector<4x1024xf32>
    %div3A_101 = arith.divf %exp3A, %div3A : vector<4x1024xf32>
    %swap3A = arith.constant 0 : index
    %swap3A_102 = arith.constant 0 : index
    %swap3A_103 = arith.constant 0 : index
    %swap3A_104 = vector.load %arg6[%swap3A, %swap3A_102, %swap3A_103] : memref<1x4x1024xf32, #tpu.memory_space<vmem>>, vector<1x4x1024xf32>
    %swap3A_105 = vector.shape_cast %swap3A_104 : vector<1x4x1024xf32> to vector<4x1024xf32>
    %swap3A_106 = vector.shape_cast %div3A_101 : vector<4x1024xf32> to vector<1x4x1024xf32>
    tpu.vector_store %arg6[%swap3A, %swap3A_102, %swap3A_103], %swap3A_106 {strides = array<i32>} : memref<1x4x1024xf32, #tpu.memory_space<vmem>>, vector<1x4x1024xf32>,
    %bitcast_convert_type3A = tpu.bitcast %stack3A_95 : vector<4x1024xf32> -> vector<4x1024xi32>
    %ge3A = arith.constant 0 : i32
    %ge3A_107 = vector.broadcast %ge3A : i32 to vector<4x1024xi32>
    %ge3A_108 = arith.cmpi sge, %bitcast_convert_type3A, %ge3A_107 : vector<4x1024xi32>
    %xor3A = arith.constant 2147483647 : i32
    %xor3A_109 = vector.broadcast %xor3A : i32 to vector<4x1024xi32>
    %xor3A_110 = arith.xori %bitcast_convert_type3A, %xor3A_109 : vector<4x1024xi32>
    %select_n3A = arith.select %ge3A_108, %bitcast_convert_type3A, %xor3A_110 : vector<4x1024xi1>, vector<4x1024xi32>
    %ge3A_111 = arith.constant 0 : i32
    %ge3A_112 = vector.broadcast %ge3A_111 : i32 to vector<4x1024xi32>
    %ge3A_113 = arith.cmpi sge, %select_n3A, %ge3A_112 : vector<4x1024xi32>
    %convert_element_type3A = arith.extui %ge3A_113 : vector<4x1024xi1> to vector<4x1024xi32>
    %reduce_sum3A_114 = arith.constant dense<0> : vector<4xi32>
    %reduce_sum3A_115 = vector.multi_reduction <add>, %convert_element_type3A, %reduce_sum3A_114 [1] : vector<4x1024xi32> to vector<4xi32>
    %broadcast_in_dim3A_116 = vector.shape_cast %reduce_sum3A_115 : vector<4xi32> to vector<4x1xi32>
    %ge3A_117 = arith.constant 512 : i32
    %ge3A_118 = vector.broadcast %ge3A_117 : i32 to vector<4x1xi32>
    %ge3A_119 = arith.cmpi sge, %broadcast_in_dim3A_116, %ge3A_118 : vector<4x1xi32>
    %jit3A = arith.constant 0 : i32
    %jit3A_120 = arith.constant -2147483648 : i32
    %broadcast_in_dim3A_121 = vector.broadcast %jit3A : i32 to vector<4x1xi32>
    %broadcast_in_dim3A_122 = vector.broadcast %jit3A_120 : i32 to vector<4x1xi32>
    %select_n3A_123 = arith.select %ge3A_119, %broadcast_in_dim3A_121, %broadcast_in_dim3A_122 : vector<4x1xi1>, vector<4x1xi32>
    %add3A_124 = arith.constant 1073741824 : i32
    %add3A_125 = vector.broadcast %add3A_124 : i32 to vector<4x1xi32>
    %add3A_126 = arith.addi %select_n3A_123, %add3A_125 : vector<4x1xi32>
    %ge3A_127 = vector.broadcast %add3A_126 : vector<4x1xi32> to vector<4x1024xi32>
    %ge3A_128 = arith.cmpi sge, %select_n3A, %ge3A_127 : vector<4x1024xi32>
    %convert_element_type3A_129 = arith.extui %ge3A_128 : vector<4x1024xi1> to vector<4x1024xi32>
    %reduce_sum3A_130 = arith.constant dense<0> : vector<4xi32>
    %reduce_sum3A_131 = vector.multi_reduction <add>, %convert_element_type3A_129, %reduce_sum3A_130 [1] : vector<4x1024xi32> to vector<4xi32>
    %broadcast_in_dim3A_132 = vector.shape_cast %reduce_sum3A_131 : vector<4xi32> to vector<4x1xi32>
    %ge3A_133 = arith.constant 512 : i32
    %ge3A_134 = vector.broadcast %ge3A_133 : i32 to vector<4x1xi32>
    %ge3A_135 = arith.cmpi sge, %broadcast_in_dim3A_132, %ge3A_134 : vector<4x1xi32>
    %select_n3A_136 = arith.select %ge3A_135, %add3A_126, %select_n3A_123 : vector<4x1xi1>, vector<4x1xi32>
    %add3A_137 = arith.constant 536870912 : i32
    %add3A_138 = vector.broadcast %add3A_137 : i32 to vector<4x1xi32>
    %add3A_139 = arith.addi %select_n3A_136, %add3A_138 : vector<4x1xi32>
    %ge3A_140 = vector.broadcast %add3A_139 : vector<4x1xi32> to vector<4x1024xi32>
    %ge3A_141 = arith.cmpi sge, %select_n3A, %ge3A_140 : vector<4x1024xi32>
    %convert_element_type3A_142 = arith.extui %ge3A_141 : vector<4x1024xi1> to vector<4x1024xi32>
    %reduce_sum3A_143 = arith.constant dense<0> : vector<4xi32>
    %reduce_sum3A_144 = vector.multi_reduction <add>, %convert_element_type3A_142, %reduce_sum3A_143 [1] : vector<4x1024xi32> to vector<4xi32>
    %broadcast_in_dim3A_145 = vector.shape_cast %reduce_sum3A_144 : vector<4xi32> to vector<4x1xi32>
    %ge3A_146 = arith.constant 512 : i32
    %ge3A_147 = vector.broadcast %ge3A_146 : i32 to vector<4x1xi32>
    %ge3A_148 = arith.cmpi sge, %broadcast_in_dim3A_145, %ge3A_147 : vector<4x1xi32>
    %select_n3A_149 = arith.select %ge3A_148, %add3A_139, %select_n3A_136 : vector<4x1xi1>, vector<4x1xi32>
    %add3A_150 = arith.constant 268435456 : i32
    %add3A_151 = vector.broadcast %add3A_150 : i32 to vector<4x1xi32>
    %add3A_152 = arith.addi %select_n3A_149, %add3A_151 : vector<4x1xi32>
    %ge3A_153 = vector.broadcast %add3A_152 : vector<4x1xi32> to vector<4x1024xi32>
    %ge3A_154 = arith.cmpi sge, %select_n3A, %ge3A_153 : vector<4x1024xi32>
    %convert_element_type3A_155 = arith.extui %ge3A_154 : vector<4x1024xi1> to vector<4x1024xi32>
    %reduce_sum3A_156 = arith.constant dense<0> : vector<4xi32>
    %reduce_sum3A_157 = vector.multi_reduction <add>, %convert_element_type3A_155, %reduce_sum3A_156 [1] : vector<4x1024xi32> to vector<4xi32>
    %broadcast_in_dim3A_158 = vector.shape_cast %reduce_sum3A_157 : vector<4xi32> to vector<4x1xi32>
    %ge3A_159 = arith.constant 512 : i32
    %ge3A_160 = vector.broadcast %ge3A_159 : i32 to vector<4x1xi32>
    %ge3A_161 = arith.cmpi sge, %broadcast_in_dim3A_158, %ge3A_160 : vector<4x1xi32>
    %select_n3A_162 = arith.select %ge3A_161, %add3A_152, %select_n3A_149 : vector<4x1xi1>, vector<4x1xi32>
    %add3A_163 = arith.constant 134217728 : i32
    %add3A_164 = vector.broadcast %add3A_163 : i32 to vector<4x1xi32>
    %add3A_165 = arith.addi %select_n3A_162, %add3A_164 : vector<4x1xi32>
    %ge3A_166 = vector.broadcast %add3A_165 : vector<4x1xi32> to vector<4x1024xi32>
    %ge3A_167 = arith.cmpi sge, %select_n3A, %ge3A_166 : vector<4x1024xi32>
    %convert_element_type3A_168 = arith.extui %ge3A_167 : vector<4x1024xi1> to vector<4x1024xi32>
    %reduce_sum3A_169 = arith.constant dense<0> : vector<4xi32>
    %reduce_sum3A_170 = vector.multi_reduction <add>, %convert_element_type3A_168, %reduce_sum3A_169 [1] : vector<4x1024xi32> to vector<4xi32>
    %broadcast_in_dim3A_171 = vector.shape_cast %reduce_sum3A_170 : vector<4xi32> to vector<4x1xi32>
    %ge3A_172 = arith.constant 512 : i32
    %ge3A_173 = vector.broadcast %ge3A_172 : i32 to vector<4x1xi32>
    %ge3A_174 = arith.cmpi sge, %broadcast_in_dim3A_171, %ge3A_173 : vector<4x1xi32>
    %select_n3A_175 = arith.select %ge3A_174, %add3A_165, %select_n3A_162 : vector<4x1xi1>, vector<4x1xi32>
    %add3A_176 = arith.constant 67108864 : i32
    %add3A_177 = vector.broadcast %add3A_176 : i32 to vector<4x1xi32>
    %add3A_178 = arith.addi %select_n3A_175, %add3A_177 : vector<4x1xi32>
    %ge3A_179 = vector.broadcast %add3A_178 : vector<4x1xi32> to vector<4x1024xi32>
    %ge3A_180 = arith.cmpi sge, %select_n3A, %ge3A_179 : vector<4x1024xi32>
    %convert_element_type3A_181 = arith.extui %ge3A_180 : vector<4x1024xi1> to vector<4x1024xi32>
    %reduce_sum3A_182 = arith.constant dense<0> : vector<4xi32>
    %reduce_sum3A_183 = vector.multi_reduction <add>, %convert_element_type3A_181, %reduce_sum3A_182 [1] : vector<4x1024xi32> to vector<4xi32>
    %broadcast_in_dim3A_184 = vector.shape_cast %reduce_sum3A_183 : vector<4xi32> to vector<4x1xi32>
    %ge3A_185 = arith.constant 512 : i32
    %ge3A_186 = vector.broadcast %ge3A_185 : i32 to vector<4x1xi32>
    %ge3A_187 = arith.cmpi sge, %broadcast_in_dim3A_184, %ge3A_186 : vector<4x1xi32>
    %select_n3A_188 = arith.select %ge3A_187, %add3A_178, %select_n3A_175 : vector<4x1xi1>, vector<4x1xi32>
    %add3A_189 = arith.constant 33554432 : i32
    %add3A_190 = vector.broadcast %add3A_189 : i32 to vector<4x1xi32>
    %add3A_191 = arith.addi %select_n3A_188, %add3A_190 : vector<4x1xi32>
    %ge3A_192 = vector.broadcast %add3A_191 : vector<4x1xi32> to vector<4x1024xi32>
    %ge3A_193 = arith.cmpi sge, %select_n3A, %ge3A_192 : vector<4x1024xi32>
    %convert_element_type3A_194 = arith.extui %ge3A_193 : vector<4x1024xi1> to vector<4x1024xi32>
    %reduce_sum3A_195 = arith.constant dense<0> : vector<4xi32>
    %reduce_sum3A_196 = vector.multi_reduction <add>, %convert_element_type3A_194, %reduce_sum3A_195 [1] : vector<4x1024xi32> to vector<4xi32>
    %broadcast_in_dim3A_197 = vector.shape_cast %reduce_sum3A_196 : vector<4xi32> to vector<4x1xi32>
    %ge3A_198 = arith.constant 512 : i32
    %ge3A_199 = vector.broadcast %ge3A_198 : i32 to vector<4x1xi32>
    %ge3A_200 = arith.cmpi sge, %broadcast_in_dim3A_197, %ge3A_199 : vector<4x1xi32>
    %select_n3A_201 = arith.select %ge3A_200, %add3A_191, %select_n3A_188 : vector<4x1xi1>, vector<4x1xi32>
    %add3A_202 = arith.constant 16777216 : i32
    %add3A_203 = vector.broadcast %add3A_202 : i32 to vector<4x1xi32>
    %add3A_204 = arith.addi %select_n3A_201, %add3A_203 : vector<4x1xi32>
    %ge3A_205 = vector.broadcast %add3A_204 : vector<4x1xi32> to vector<4x1024xi32>
    %ge3A_206 = arith.cmpi sge, %select_n3A, %ge3A_205 : vector<4x1024xi32>
    %convert_element_type3A_207 = arith.extui %ge3A_206 : vector<4x1024xi1> to vector<4x1024xi32>
    %reduce_sum3A_208 = arith.constant dense<0> : vector<4xi32>
    %reduce_sum3A_209 = vector.multi_reduction <add>, %convert_element_type3A_207, %reduce_sum3A_208 [1] : vector<4x1024xi32> to vector<4xi32>
    %broadcast_in_dim3A_210 = vector.shape_cast %reduce_sum3A_209 : vector<4xi32> to vector<4x1xi32>
    %ge3A_211 = arith.constant 512 : i32
    %ge3A_212 = vector.broadcast %ge3A_211 : i32 to vector<4x1xi32>
    %ge3A_213 = arith.cmpi sge, %broadcast_in_dim3A_210, %ge3A_212 : vector<4x1xi32>
    %select_n3A_214 = arith.select %ge3A_213, %add3A_204, %select_n3A_201 : vector<4x1xi1>, vector<4x1xi32>
    %add3A_215 = arith.constant 8388608 : i32
    %add3A_216 = vector.broadcast %add3A_215 : i32 to vector<4x1xi32>
    %add3A_217 = arith.addi %select_n3A_214, %add3A_216 : vector<4x1xi32>
    %ge3A_218 = vector.broadcast %add3A_217 : vector<4x1xi32> to vector<4x1024xi32>
    %ge3A_219 = arith.cmpi sge, %select_n3A, %ge3A_218 : vector<4x1024xi32>
    %convert_element_type3A_220 = arith.extui %ge3A_219 : vector<4x1024xi1> to vector<4x1024xi32>
    %reduce_sum3A_221 = arith.constant dense<0> : vector<4xi32>
    %reduce_sum3A_222 = vector.multi_reduction <add>, %convert_element_type3A_220, %reduce_sum3A_221 [1] : vector<4x1024xi32> to vector<4xi32>
    %broadcast_in_dim3A_223 = vector.shape_cast %reduce_sum3A_222 : vector<4xi32> to vector<4x1xi32>
    %ge3A_224 = arith.constant 512 : i32
    %ge3A_225 = vector.broadcast %ge3A_224 : i32 to vector<4x1xi32>
    %ge3A_226 = arith.cmpi sge, %broadcast_in_dim3A_223, %ge3A_225 : vector<4x1xi32>
    %select_n3A_227 = arith.select %ge3A_226, %add3A_217, %select_n3A_214 : vector<4x1xi1>, vector<4x1xi32>
    %add3A_228 = arith.constant 4194304 : i32
    %add3A_229 = vector.broadcast %add3A_228 : i32 to vector<4x1xi32>
    %add3A_230 = arith.addi %select_n3A_227, %add3A_229 : vector<4x1xi32>
    %ge3A_231 = vector.broadcast %add3A_230 : vector<4x1xi32> to vector<4x1024xi32>
    %ge3A_232 = arith.cmpi sge, %select_n3A, %ge3A_231 : vector<4x1024xi32>
    %convert_element_type3A_233 = arith.extui %ge3A_232 : vector<4x1024xi1> to vector<4x1024xi32>
    %reduce_sum3A_234 = arith.constant dense<0> : vector<4xi32>
    %reduce_sum3A_235 = vector.multi_reduction <add>, %convert_element_type3A_233, %reduce_sum3A_234 [1] : vector<4x1024xi32> to vector<4xi32>
    %broadcast_in_dim3A_236 = vector.shape_cast %reduce_sum3A_235 : vector<4xi32> to vector<4x1xi32>
    %ge3A_237 = arith.constant 512 : i32
    %ge3A_238 = vector.broadcast %ge3A_237 : i32 to vector<4x1xi32>
    %ge3A_239 = arith.cmpi sge, %broadcast_in_dim3A_236, %ge3A_238 : vector<4x1xi32>
    %select_n3A_240 = arith.select %ge3A_239, %add3A_230, %select_n3A_227 : vector<4x1xi1>, vector<4x1xi32>
    %add3A_241 = arith.constant 2097152 : i32
    %add3A_242 = vector.broadcast %add3A_241 : i32 to vector<4x1xi32>
    %add3A_243 = arith.addi %select_n3A_240, %add3A_242 : vector<4x1xi32>
    %ge3A_244 = vector.broadcast %add3A_243 : vector<4x1xi32> to vector<4x1024xi32>
    %ge3A_245 = arith.cmpi sge, %select_n3A, %ge3A_244 : vector<4x1024xi32>
    %convert_element_type3A_246 = arith.extui %ge3A_245 : vector<4x1024xi1> to vector<4x1024xi32>
    %reduce_sum3A_247 = arith.constant dense<0> : vector<4xi32>
    %reduce_sum3A_248 = vector.multi_reduction <add>, %convert_element_type3A_246, %reduce_sum3A_247 [1] : vector<4x1024xi32> to vector<4xi32>
    %broadcast_in_dim3A_249 = vector.shape_cast %reduce_sum3A_248 : vector<4xi32> to vector<4x1xi32>
    %ge3A_250 = arith.constant 512 : i32
    %ge3A_251 = vector.broadcast %ge3A_250 : i32 to vector<4x1xi32>
    %ge3A_252 = arith.cmpi sge, %broadcast_in_dim3A_249, %ge3A_251 : vector<4x1xi32>
    %select_n3A_253 = arith.select %ge3A_252, %add3A_243, %select_n3A_240 : vector<4x1xi1>, vector<4x1xi32>
    %add3A_254 = arith.constant 1048576 : i32
    %add3A_255 = vector.broadcast %add3A_254 : i32 to vector<4x1xi32>
    %add3A_256 = arith.addi %select_n3A_253, %add3A_255 : vector<4x1xi32>
    %ge3A_257 = vector.broadcast %add3A_256 : vector<4x1xi32> to vector<4x1024xi32>
    %ge3A_258 = arith.cmpi sge, %select_n3A, %ge3A_257 : vector<4x1024xi32>
    %convert_element_type3A_259 = arith.extui %ge3A_258 : vector<4x1024xi1> to vector<4x1024xi32>
    %reduce_sum3A_260 = arith.constant dense<0> : vector<4xi32>
    %reduce_sum3A_261 = vector.multi_reduction <add>, %convert_element_type3A_259, %reduce_sum3A_260 [1] : vector<4x1024xi32> to vector<4xi32>
    %broadcast_in_dim3A_262 = vector.shape_cast %reduce_sum3A_261 : vector<4xi32> to vector<4x1xi32>
    %ge3A_263 = arith.constant 512 : i32
    %ge3A_264 = vector.broadcast %ge3A_263 : i32 to vector<4x1xi32>
    %ge3A_265 = arith.cmpi sge, %broadcast_in_dim3A_262, %ge3A_264 : vector<4x1xi32>
    %select_n3A_266 = arith.select %ge3A_265, %add3A_256, %select_n3A_253 : vector<4x1xi1>, vector<4x1xi32>
    %add3A_267 = arith.constant 524288 : i32
    %add3A_268 = vector.broadcast %add3A_267 : i32 to vector<4x1xi32>
    %add3A_269 = arith.addi %select_n3A_266, %add3A_268 : vector<4x1xi32>
    %ge3A_270 = vector.broadcast %add3A_269 : vector<4x1xi32> to vector<4x1024xi32>
    %ge3A_271 = arith.cmpi sge, %select_n3A, %ge3A_270 : vector<4x1024xi32>
    %convert_element_type3A_272 = arith.extui %ge3A_271 : vector<4x1024xi1> to vector<4x1024xi32>
    %reduce_sum3A_273 = arith.constant dense<0> : vector<4xi32>
    %reduce_sum3A_274 = vector.multi_reduction <add>, %convert_element_type3A_272, %reduce_sum3A_273 [1] : vector<4x1024xi32> to vector<4xi32>
    %broadcast_in_dim3A_275 = vector.shape_cast %reduce_sum3A_274 : vector<4xi32> to vector<4x1xi32>
    %ge3A_276 = arith.constant 512 : i32
    %ge3A_277 = vector.broadcast %ge3A_276 : i32 to vector<4x1xi32>
    %ge3A_278 = arith.cmpi sge, %broadcast_in_dim3A_275, %ge3A_277 : vector<4x1xi32>
    %select_n3A_279 = arith.select %ge3A_278, %add3A_269, %select_n3A_266 : vector<4x1xi1>, vector<4x1xi32>
    %add3A_280 = arith.constant 262144 : i32
    %add3A_281 = vector.broadcast %add3A_280 : i32 to vector<4x1xi32>
    %add3A_282 = arith.addi %select_n3A_279, %add3A_281 : vector<4x1xi32>
    %ge3A_283 = vector.broadcast %add3A_282 : vector<4x1xi32> to vector<4x1024xi32>
    %ge3A_284 = arith.cmpi sge, %select_n3A, %ge3A_283 : vector<4x1024xi32>
    %convert_element_type3A_285 = arith.extui %ge3A_284 : vector<4x1024xi1> to vector<4x1024xi32>
    %reduce_sum3A_286 = arith.constant dense<0> : vector<4xi32>
    %reduce_sum3A_287 = vector.multi_reduction <add>, %convert_element_type3A_285, %reduce_sum3A_286 [1] : vector<4x1024xi32> to vector<4xi32>
    %broadcast_in_dim3A_288 = vector.shape_cast %reduce_sum3A_287 : vector<4xi32> to vector<4x1xi32>
    %ge3A_289 = arith.constant 512 : i32
    %ge3A_290 = vector.broadcast %ge3A_289 : i32 to vector<4x1xi32>
    %ge3A_291 = arith.cmpi sge, %broadcast_in_dim3A_288, %ge3A_290 : vector<4x1xi32>
    %select_n3A_292 = arith.select %ge3A_291, %add3A_282, %select_n3A_279 : vector<4x1xi1>, vector<4x1xi32>
    %add3A_293 = arith.constant 131072 : i32
    %add3A_294 = vector.broadcast %add3A_293 : i32 to vector<4x1xi32>
    %add3A_295 = arith.addi %select_n3A_292, %add3A_294 : vector<4x1xi32>
    %ge3A_296 = vector.broadcast %add3A_295 : vector<4x1xi32> to vector<4x1024xi32>
    %ge3A_297 = arith.cmpi sge, %select_n3A, %ge3A_296 : vector<4x1024xi32>
    %convert_element_type3A_298 = arith.extui %ge3A_297 : vector<4x1024xi1> to vector<4x1024xi32>
    %reduce_sum3A_299 = arith.constant dense<0> : vector<4xi32>
    %reduce_sum3A_300 = vector.multi_reduction <add>, %convert_element_type3A_298, %reduce_sum3A_299 [1] : vector<4x1024xi32> to vector<4xi32>
    %broadcast_in_dim3A_301 = vector.shape_cast %reduce_sum3A_300 : vector<4xi32> to vector<4x1xi32>
    %ge3A_302 = arith.constant 512 : i32
    %ge3A_303 = vector.broadcast %ge3A_302 : i32 to vector<4x1xi32>
    %ge3A_304 = arith.cmpi sge, %broadcast_in_dim3A_301, %ge3A_303 : vector<4x1xi32>
    %select_n3A_305 = arith.select %ge3A_304, %add3A_295, %select_n3A_292 : vector<4x1xi1>, vector<4x1xi32>
    %add3A_306 = arith.constant 65536 : i32
    %add3A_307 = vector.broadcast %add3A_306 : i32 to vector<4x1xi32>
    %add3A_308 = arith.addi %select_n3A_305, %add3A_307 : vector<4x1xi32>
    %ge3A_309 = vector.broadcast %add3A_308 : vector<4x1xi32> to vector<4x1024xi32>
    %ge3A_310 = arith.cmpi sge, %select_n3A, %ge3A_309 : vector<4x1024xi32>
    %convert_element_type3A_311 = arith.extui %ge3A_310 : vector<4x1024xi1> to vector<4x1024xi32>
    %reduce_sum3A_312 = arith.constant dense<0> : vector<4xi32>
    %reduce_sum3A_313 = vector.multi_reduction <add>, %convert_element_type3A_311, %reduce_sum3A_312 [1] : vector<4x1024xi32> to vector<4xi32>
    %broadcast_in_dim3A_314 = vector.shape_cast %reduce_sum3A_313 : vector<4xi32> to vector<4x1xi32>
    %ge3A_315 = arith.constant 512 : i32
    %ge3A_316 = vector.broadcast %ge3A_315 : i32 to vector<4x1xi32>
    %ge3A_317 = arith.cmpi sge, %broadcast_in_dim3A_314, %ge3A_316 : vector<4x1xi32>
    %select_n3A_318 = arith.select %ge3A_317, %add3A_308, %select_n3A_305 : vector<4x1xi1>, vector<4x1xi32>
    %add3A_319 = arith.constant 32768 : i32
    %add3A_320 = vector.broadcast %add3A_319 : i32 to vector<4x1xi32>
    %add3A_321 = arith.addi %select_n3A_318, %add3A_320 : vector<4x1xi32>
    %ge3A_322 = vector.broadcast %add3A_321 : vector<4x1xi32> to vector<4x1024xi32>
    %ge3A_323 = arith.cmpi sge, %select_n3A, %ge3A_322 : vector<4x1024xi32>
    %convert_element_type3A_324 = arith.extui %ge3A_323 : vector<4x1024xi1> to vector<4x1024xi32>
    %reduce_sum3A_325 = arith.constant dense<0> : vector<4xi32>
    %reduce_sum3A_326 = vector.multi_reduction <add>, %convert_element_type3A_324, %reduce_sum3A_325 [1] : vector<4x1024xi32> to vector<4xi32>
    %broadcast_in_dim3A_327 = vector.shape_cast %reduce_sum3A_326 : vector<4xi32> to vector<4x1xi32>
    %ge3A_328 = arith.constant 512 : i32
    %ge3A_329 = vector.broadcast %ge3A_328 : i32 to vector<4x1xi32>
    %ge3A_330 = arith.cmpi sge, %broadcast_in_dim3A_327, %ge3A_329 : vector<4x1xi32>
    %select_n3A_331 = arith.select %ge3A_330, %add3A_321, %select_n3A_318 : vector<4x1xi1>, vector<4x1xi32>
    %add3A_332 = arith.constant 16384 : i32
    %add3A_333 = vector.broadcast %add3A_332 : i32 to vector<4x1xi32>
    %add3A_334 = arith.addi %select_n3A_331, %add3A_333 : vector<4x1xi32>
    %ge3A_335 = vector.broadcast %add3A_334 : vector<4x1xi32> to vector<4x1024xi32>
    %ge3A_336 = arith.cmpi sge, %select_n3A, %ge3A_335 : vector<4x1024xi32>
    %convert_element_type3A_337 = arith.extui %ge3A_336 : vector<4x1024xi1> to vector<4x1024xi32>
    %reduce_sum3A_338 = arith.constant dense<0> : vector<4xi32>
    %reduce_sum3A_339 = vector.multi_reduction <add>, %convert_element_type3A_337, %reduce_sum3A_338 [1] : vector<4x1024xi32> to vector<4xi32>
    %broadcast_in_dim3A_340 = vector.shape_cast %reduce_sum3A_339 : vector<4xi32> to vector<4x1xi32>
    %ge3A_341 = arith.constant 512 : i32
    %ge3A_342 = vector.broadcast %ge3A_341 : i32 to vector<4x1xi32>
    %ge3A_343 = arith.cmpi sge, %broadcast_in_dim3A_340, %ge3A_342 : vector<4x1xi32>
    %select_n3A_344 = arith.select %ge3A_343, %add3A_334, %select_n3A_331 : vector<4x1xi1>, vector<4x1xi32>
    %add3A_345 = arith.constant 8192 : i32
    %add3A_346 = vector.broadcast %add3A_345 : i32 to vector<4x1xi32>
    %add3A_347 = arith.addi %select_n3A_344, %add3A_346 : vector<4x1xi32>
    %ge3A_348 = vector.broadcast %add3A_347 : vector<4x1xi32> to vector<4x1024xi32>
    %ge3A_349 = arith.cmpi sge, %select_n3A, %ge3A_348 : vector<4x1024xi32>
    %convert_element_type3A_350 = arith.extui %ge3A_349 : vector<4x1024xi1> to vector<4x1024xi32>
    %reduce_sum3A_351 = arith.constant dense<0> : vector<4xi32>
    %reduce_sum3A_352 = vector.multi_reduction <add>, %convert_element_type3A_350, %reduce_sum3A_351 [1] : vector<4x1024xi32> to vector<4xi32>
    %broadcast_in_dim3A_353 = vector.shape_cast %reduce_sum3A_352 : vector<4xi32> to vector<4x1xi32>
    %ge3A_354 = arith.constant 512 : i32
    %ge3A_355 = vector.broadcast %ge3A_354 : i32 to vector<4x1xi32>
    %ge3A_356 = arith.cmpi sge, %broadcast_in_dim3A_353, %ge3A_355 : vector<4x1xi32>
    %select_n3A_357 = arith.select %ge3A_356, %add3A_347, %select_n3A_344 : vector<4x1xi1>, vector<4x1xi32>
    %add3A_358 = arith.constant 4096 : i32
    %add3A_359 = vector.broadcast %add3A_358 : i32 to vector<4x1xi32>
    %add3A_360 = arith.addi %select_n3A_357, %add3A_359 : vector<4x1xi32>
    %ge3A_361 = vector.broadcast %add3A_360 : vector<4x1xi32> to vector<4x1024xi32>
    %ge3A_362 = arith.cmpi sge, %select_n3A, %ge3A_361 : vector<4x1024xi32>
    %convert_element_type3A_363 = arith.extui %ge3A_362 : vector<4x1024xi1> to vector<4x1024xi32>
    %reduce_sum3A_364 = arith.constant dense<0> : vector<4xi32>
    %reduce_sum3A_365 = vector.multi_reduction <add>, %convert_element_type3A_363, %reduce_sum3A_364 [1] : vector<4x1024xi32> to vector<4xi32>
    %broadcast_in_dim3A_366 = vector.shape_cast %reduce_sum3A_365 : vector<4xi32> to vector<4x1xi32>
    %ge3A_367 = arith.constant 512 : i32
    %ge3A_368 = vector.broadcast %ge3A_367 : i32 to vector<4x1xi32>
    %ge3A_369 = arith.cmpi sge, %broadcast_in_dim3A_366, %ge3A_368 : vector<4x1xi32>
    %select_n3A_370 = arith.select %ge3A_369, %add3A_360, %select_n3A_357 : vector<4x1xi1>, vector<4x1xi32>
    %add3A_371 = arith.constant 2048 : i32
    %add3A_372 = vector.broadcast %add3A_371 : i32 to vector<4x1xi32>
    %add3A_373 = arith.addi %select_n3A_370, %add3A_372 : vector<4x1xi32>
    %ge3A_374 = vector.broadcast %add3A_373 : vector<4x1xi32> to vector<4x1024xi32>
    %ge3A_375 = arith.cmpi sge, %select_n3A, %ge3A_374 : vector<4x1024xi32>
    %convert_element_type3A_376 = arith.extui %ge3A_375 : vector<4x1024xi1> to vector<4x1024xi32>
    %reduce_sum3A_377 = arith.constant dense<0> : vector<4xi32>
    %reduce_sum3A_378 = vector.multi_reduction <add>, %convert_element_type3A_376, %reduce_sum3A_377 [1] : vector<4x1024xi32> to vector<4xi32>
    %broadcast_in_dim3A_379 = vector.shape_cast %reduce_sum3A_378 : vector<4xi32> to vector<4x1xi32>
    %ge3A_380 = arith.constant 512 : i32
    %ge3A_381 = vector.broadcast %ge3A_380 : i32 to vector<4x1xi32>
    %ge3A_382 = arith.cmpi sge, %broadcast_in_dim3A_379, %ge3A_381 : vector<4x1xi32>
    %select_n3A_383 = arith.select %ge3A_382, %add3A_373, %select_n3A_370 : vector<4x1xi1>, vector<4x1xi32>
    %add3A_384 = arith.constant 1024 : i32
    %add3A_385 = vector.broadcast %add3A_384 : i32 to vector<4x1xi32>
    %add3A_386 = arith.addi %select_n3A_383, %add3A_385 : vector<4x1xi32>
    %ge3A_387 = vector.broadcast %add3A_386 : vector<4x1xi32> to vector<4x1024xi32>
    %ge3A_388 = arith.cmpi sge, %select_n3A, %ge3A_387 : vector<4x1024xi32>
    %convert_element_type3A_389 = arith.extui %ge3A_388 : vector<4x1024xi1> to vector<4x1024xi32>
    %reduce_sum3A_390 = arith.constant dense<0> : vector<4xi32>
    %reduce_sum3A_391 = vector.multi_reduction <add>, %convert_element_type3A_389, %reduce_sum3A_390 [1] : vector<4x1024xi32> to vector<4xi32>
    %broadcast_in_dim3A_392 = vector.shape_cast %reduce_sum3A_391 : vector<4xi32> to vector<4x1xi32>
    %ge3A_393 = arith.constant 512 : i32
    %ge3A_394 = vector.broadcast %ge3A_393 : i32 to vector<4x1xi32>
    %ge3A_395 = arith.cmpi sge, %broadcast_in_dim3A_392, %ge3A_394 : vector<4x1xi32>
    %select_n3A_396 = arith.select %ge3A_395, %add3A_386, %select_n3A_383 : vector<4x1xi1>, vector<4x1xi32>
    %add3A_397 = arith.constant 512 : i32
    %add3A_398 = vector.broadcast %add3A_397 : i32 to vector<4x1xi32>
    %add3A_399 = arith.addi %select_n3A_396, %add3A_398 : vector<4x1xi32>
    %ge3A_400 = vector.broadcast %add3A_399 : vector<4x1xi32> to vector<4x1024xi32>
    %ge3A_401 = arith.cmpi sge, %select_n3A, %ge3A_400 : vector<4x1024xi32>
    %convert_element_type3A_402 = arith.extui %ge3A_401 : vector<4x1024xi1> to vector<4x1024xi32>
    %reduce_sum3A_403 = arith.constant dense<0> : vector<4xi32>
    %reduce_sum3A_404 = vector.multi_reduction <add>, %convert_element_type3A_402, %reduce_sum3A_403 [1] : vector<4x1024xi32> to vector<4xi32>
    %broadcast_in_dim3A_405 = vector.shape_cast %reduce_sum3A_404 : vector<4xi32> to vector<4x1xi32>
    %ge3A_406 = arith.constant 512 : i32
    %ge3A_407 = vector.broadcast %ge3A_406 : i32 to vector<4x1xi32>
    %ge3A_408 = arith.cmpi sge, %broadcast_in_dim3A_405, %ge3A_407 : vector<4x1xi32>
    %select_n3A_409 = arith.select %ge3A_408, %add3A_399, %select_n3A_396 : vector<4x1xi1>, vector<4x1xi32>
    %add3A_410 = arith.constant 256 : i32
    %add3A_411 = vector.broadcast %add3A_410 : i32 to vector<4x1xi32>
    %add3A_412 = arith.addi %select_n3A_409, %add3A_411 : vector<4x1xi32>
    %ge3A_413 = vector.broadcast %add3A_412 : vector<4x1xi32> to vector<4x1024xi32>
    %ge3A_414 = arith.cmpi sge, %select_n3A, %ge3A_413 : vector<4x1024xi32>
    %convert_element_type3A_415 = arith.extui %ge3A_414 : vector<4x1024xi1> to vector<4x1024xi32>
    %reduce_sum3A_416 = arith.constant dense<0> : vector<4xi32>
    %reduce_sum3A_417 = vector.multi_reduction <add>, %convert_element_type3A_415, %reduce_sum3A_416 [1] : vector<4x1024xi32> to vector<4xi32>
    %broadcast_in_dim3A_418 = vector.shape_cast %reduce_sum3A_417 : vector<4xi32> to vector<4x1xi32>
    %ge3A_419 = arith.constant 512 : i32
    %ge3A_420 = vector.broadcast %ge3A_419 : i32 to vector<4x1xi32>
    %ge3A_421 = arith.cmpi sge, %broadcast_in_dim3A_418, %ge3A_420 : vector<4x1xi32>
    %select_n3A_422 = arith.select %ge3A_421, %add3A_412, %select_n3A_409 : vector<4x1xi1>, vector<4x1xi32>
    %add3A_423 = arith.constant 128 : i32
    %add3A_424 = vector.broadcast %add3A_423 : i32 to vector<4x1xi32>
    %add3A_425 = arith.addi %select_n3A_422, %add3A_424 : vector<4x1xi32>
    %ge3A_426 = vector.broadcast %add3A_425 : vector<4x1xi32> to vector<4x1024xi32>
    %ge3A_427 = arith.cmpi sge, %select_n3A, %ge3A_426 : vector<4x1024xi32>
    %convert_element_type3A_428 = arith.extui %ge3A_427 : vector<4x1024xi1> to vector<4x1024xi32>
    %reduce_sum3A_429 = arith.constant dense<0> : vector<4xi32>
    %reduce_sum3A_430 = vector.multi_reduction <add>, %convert_element_type3A_428, %reduce_sum3A_429 [1] : vector<4x1024xi32> to vector<4xi32>
    %broadcast_in_dim3A_431 = vector.shape_cast %reduce_sum3A_430 : vector<4xi32> to vector<4x1xi32>
    %ge3A_432 = arith.constant 512 : i32
    %ge3A_433 = vector.broadcast %ge3A_432 : i32 to vector<4x1xi32>
    %ge3A_434 = arith.cmpi sge, %broadcast_in_dim3A_431, %ge3A_433 : vector<4x1xi32>
    %select_n3A_435 = arith.select %ge3A_434, %add3A_425, %select_n3A_422 : vector<4x1xi1>, vector<4x1xi32>
    %add3A_436 = arith.constant 64 : i32
    %add3A_437 = vector.broadcast %add3A_436 : i32 to vector<4x1xi32>
    %add3A_438 = arith.addi %select_n3A_435, %add3A_437 : vector<4x1xi32>
    %ge3A_439 = vector.broadcast %add3A_438 : vector<4x1xi32> to vector<4x1024xi32>
    %ge3A_440 = arith.cmpi sge, %select_n3A, %ge3A_439 : vector<4x1024xi32>
    %convert_element_type3A_441 = arith.extui %ge3A_440 : vector<4x1024xi1> to vector<4x1024xi32>
    %reduce_sum3A_442 = arith.constant dense<0> : vector<4xi32>
    %reduce_sum3A_443 = vector.multi_reduction <add>, %convert_element_type3A_441, %reduce_sum3A_442 [1] : vector<4x1024xi32> to vector<4xi32>
    %broadcast_in_dim3A_444 = vector.shape_cast %reduce_sum3A_443 : vector<4xi32> to vector<4x1xi32>
    %ge3A_445 = arith.constant 512 : i32
    %ge3A_446 = vector.broadcast %ge3A_445 : i32 to vector<4x1xi32>
    %ge3A_447 = arith.cmpi sge, %broadcast_in_dim3A_444, %ge3A_446 : vector<4x1xi32>
    %select_n3A_448 = arith.select %ge3A_447, %add3A_438, %select_n3A_435 : vector<4x1xi1>, vector<4x1xi32>
    %add3A_449 = arith.constant 32 : i32
    %add3A_450 = vector.broadcast %add3A_449 : i32 to vector<4x1xi32>
    %add3A_451 = arith.addi %select_n3A_448, %add3A_450 : vector<4x1xi32>
    %ge3A_452 = vector.broadcast %add3A_451 : vector<4x1xi32> to vector<4x1024xi32>
    %ge3A_453 = arith.cmpi sge, %select_n3A, %ge3A_452 : vector<4x1024xi32>
    %convert_element_type3A_454 = arith.extui %ge3A_453 : vector<4x1024xi1> to vector<4x1024xi32>
    %reduce_sum3A_455 = arith.constant dense<0> : vector<4xi32>
    %reduce_sum3A_456 = vector.multi_reduction <add>, %convert_element_type3A_454, %reduce_sum3A_455 [1] : vector<4x1024xi32> to vector<4xi32>
    %broadcast_in_dim3A_457 = vector.shape_cast %reduce_sum3A_456 : vector<4xi32> to vector<4x1xi32>
    %ge3A_458 = arith.constant 512 : i32
    %ge3A_459 = vector.broadcast %ge3A_458 : i32 to vector<4x1xi32>
    %ge3A_460 = arith.cmpi sge, %broadcast_in_dim3A_457, %ge3A_459 : vector<4x1xi32>
    %select_n3A_461 = arith.select %ge3A_460, %add3A_451, %select_n3A_448 : vector<4x1xi1>, vector<4x1xi32>
    %add3A_462 = arith.constant 16 : i32
    %add3A_463 = vector.broadcast %add3A_462 : i32 to vector<4x1xi32>
    %add3A_464 = arith.addi %select_n3A_461, %add3A_463 : vector<4x1xi32>
    %ge3A_465 = vector.broadcast %add3A_464 : vector<4x1xi32> to vector<4x1024xi32>
    %ge3A_466 = arith.cmpi sge, %select_n3A, %ge3A_465 : vector<4x1024xi32>
    %convert_element_type3A_467 = arith.extui %ge3A_466 : vector<4x1024xi1> to vector<4x1024xi32>
    %reduce_sum3A_468 = arith.constant dense<0> : vector<4xi32>
    %reduce_sum3A_469 = vector.multi_reduction <add>, %convert_element_type3A_467, %reduce_sum3A_468 [1] : vector<4x1024xi32> to vector<4xi32>
    %broadcast_in_dim3A_470 = vector.shape_cast %reduce_sum3A_469 : vector<4xi32> to vector<4x1xi32>
    %ge3A_471 = arith.constant 512 : i32
    %ge3A_472 = vector.broadcast %ge3A_471 : i32 to vector<4x1xi32>
    %ge3A_473 = arith.cmpi sge, %broadcast_in_dim3A_470, %ge3A_472 : vector<4x1xi32>
    %select_n3A_474 = arith.select %ge3A_473, %add3A_464, %select_n3A_461 : vector<4x1xi1>, vector<4x1xi32>
    %add3A_475 = arith.constant 8 : i32
    %add3A_476 = vector.broadcast %add3A_475 : i32 to vector<4x1xi32>
    %add3A_477 = arith.addi %select_n3A_474, %add3A_476 : vector<4x1xi32>
    %ge3A_478 = vector.broadcast %add3A_477 : vector<4x1xi32> to vector<4x1024xi32>
    %ge3A_479 = arith.cmpi sge, %select_n3A, %ge3A_478 : vector<4x1024xi32>
    %convert_element_type3A_480 = arith.extui %ge3A_479 : vector<4x1024xi1> to vector<4x1024xi32>
    %reduce_sum3A_481 = arith.constant dense<0> : vector<4xi32>
    %reduce_sum3A_482 = vector.multi_reduction <add>, %convert_element_type3A_480, %reduce_sum3A_481 [1] : vector<4x1024xi32> to vector<4xi32>
    %broadcast_in_dim3A_483 = vector.shape_cast %reduce_sum3A_482 : vector<4xi32> to vector<4x1xi32>
    %ge3A_484 = arith.constant 512 : i32
    %ge3A_485 = vector.broadcast %ge3A_484 : i32 to vector<4x1xi32>
    %ge3A_486 = arith.cmpi sge, %broadcast_in_dim3A_483, %ge3A_485 : vector<4x1xi32>
    %select_n3A_487 = arith.select %ge3A_486, %add3A_477, %select_n3A_474 : vector<4x1xi1>, vector<4x1xi32>
    %add3A_488 = arith.constant 4 : i32
    %add3A_489 = vector.broadcast %add3A_488 : i32 to vector<4x1xi32>
    %add3A_490 = arith.addi %select_n3A_487, %add3A_489 : vector<4x1xi32>
    %ge3A_491 = vector.broadcast %add3A_490 : vector<4x1xi32> to vector<4x1024xi32>
    %ge3A_492 = arith.cmpi sge, %select_n3A, %ge3A_491 : vector<4x1024xi32>
    %convert_element_type3A_493 = arith.extui %ge3A_492 : vector<4x1024xi1> to vector<4x1024xi32>
    %reduce_sum3A_494 = arith.constant dense<0> : vector<4xi32>
    %reduce_sum3A_495 = vector.multi_reduction <add>, %convert_element_type3A_493, %reduce_sum3A_494 [1] : vector<4x1024xi32> to vector<4xi32>
    %broadcast_in_dim3A_496 = vector.shape_cast %reduce_sum3A_495 : vector<4xi32> to vector<4x1xi32>
    %ge3A_497 = arith.constant 512 : i32
    %ge3A_498 = vector.broadcast %ge3A_497 : i32 to vector<4x1xi32>
    %ge3A_499 = arith.cmpi sge, %broadcast_in_dim3A_496, %ge3A_498 : vector<4x1xi32>
    %select_n3A_500 = arith.select %ge3A_499, %add3A_490, %select_n3A_487 : vector<4x1xi1>, vector<4x1xi32>
    %add3A_501 = arith.constant 2 : i32
    %add3A_502 = vector.broadcast %add3A_501 : i32 to vector<4x1xi32>
    %add3A_503 = arith.addi %select_n3A_500, %add3A_502 : vector<4x1xi32>
    %ge3A_504 = vector.broadcast %add3A_503 : vector<4x1xi32> to vector<4x1024xi32>
    %ge3A_505 = arith.cmpi sge, %select_n3A, %ge3A_504 : vector<4x1024xi32>
    %convert_element_type3A_506 = arith.extui %ge3A_505 : vector<4x1024xi1> to vector<4x1024xi32>
    %reduce_sum3A_507 = arith.constant dense<0> : vector<4xi32>
    %reduce_sum3A_508 = vector.multi_reduction <add>, %convert_element_type3A_506, %reduce_sum3A_507 [1] : vector<4x1024xi32> to vector<4xi32>
    %broadcast_in_dim3A_509 = vector.shape_cast %reduce_sum3A_508 : vector<4xi32> to vector<4x1xi32>
    %ge3A_510 = arith.constant 512 : i32
    %ge3A_511 = vector.broadcast %ge3A_510 : i32 to vector<4x1xi32>
    %ge3A_512 = arith.cmpi sge, %broadcast_in_dim3A_509, %ge3A_511 : vector<4x1xi32>
    %select_n3A_513 = arith.select %ge3A_512, %add3A_503, %select_n3A_500 : vector<4x1xi1>, vector<4x1xi32>
    %add3A_514 = arith.constant 1 : i32
    %add3A_515 = vector.broadcast %add3A_514 : i32 to vector<4x1xi32>
    %add3A_516 = arith.addi %select_n3A_513, %add3A_515 : vector<4x1xi32>
    %ge3A_517 = vector.broadcast %add3A_516 : vector<4x1xi32> to vector<4x1024xi32>
    %ge3A_518 = arith.cmpi sge, %select_n3A, %ge3A_517 : vector<4x1024xi32>
    %convert_element_type3A_519 = arith.extui %ge3A_518 : vector<4x1024xi1> to vector<4x1024xi32>
    %reduce_sum3A_520 = arith.constant dense<0> : vector<4xi32>
    %reduce_sum3A_521 = vector.multi_reduction <add>, %convert_element_type3A_519, %reduce_sum3A_520 [1] : vector<4x1024xi32> to vector<4xi32>
    %broadcast_in_dim3A_522 = vector.shape_cast %reduce_sum3A_521 : vector<4xi32> to vector<4x1xi32>
    %ge3A_523 = arith.constant 512 : i32
    %ge3A_524 = vector.broadcast %ge3A_523 : i32 to vector<4x1xi32>
    %ge3A_525 = arith.cmpi sge, %broadcast_in_dim3A_522, %ge3A_524 : vector<4x1xi32>
    %select_n3A_526 = arith.select %ge3A_525, %add3A_516, %select_n3A_513 : vector<4x1xi1>, vector<4x1xi32>
    %bitcast_convert_type3A_527 = tpu.bitcast %reduce_sum3A_22 : vector<1024xf32> -> vector<1024xi32>
    %ge3A_528 = arith.constant 0 : i32
    %ge3A_529 = vector.broadcast %ge3A_528 : i32 to vector<1024xi32>
    %ge3A_530 = arith.cmpi sge, %bitcast_convert_type3A_527, %ge3A_529 : vector<1024xi32>
    %xor3A_531 = arith.constant 2147483647 : i32
    %xor3A_532 = vector.broadcast %xor3A_531 : i32 to vector<1024xi32>
    %xor3A_533 = arith.xori %bitcast_convert_type3A_527, %xor3A_532 : vector<1024xi32>
    %select_n3A_534 = arith.select %ge3A_530, %bitcast_convert_type3A_527, %xor3A_533 : vector<1024xi1>, vector<1024xi32>
    %slice3A = vector.extract_strided_slice %select_n3A_526 {offsets = [0, 0], sizes = [1, 1], strides = [1, 1]} : vector<4x1xi32> to vector<1x1xi32>
    %squeeze3A = vector.extract %slice3A[0, 0] : i32 from vector<1x1xi32>
    %ge3A_535 = vector.broadcast %squeeze3A : i32 to vector<1024xi32>
    %ge3A_536 = arith.cmpi sge, %select_n3A_534, %ge3A_535 : vector<1024xi32>
    %broadcast_in_dim3A_537 = vector.shape_cast %ge3A_536 : vector<1024xi1> to vector<1024x1xi1>
    %jit3A_538 = arith.constant 0xFF800000 : f32
    %broadcast_in_dim3A_539 = vector.shape_cast %broadcast_in_dim3A_537 : vector<1024x1xi1> to vector<1024x1xi1>
    %broadcast_in_dim3A_540 = vector.broadcast %broadcast_in_dim3A_539 : vector<1024x1xi1> to vector<1024x1024xi1>
    %broadcast_in_dim3A_541 = vector.broadcast %jit3A_538 : f32 to vector<1024x1024xf32>
    %select_n3A_542 = arith.select %broadcast_in_dim3A_540, %mul3A_21, %broadcast_in_dim3A_541 : vector<1024x1024xi1>, vector<1024x1024xf32>
    %reduce_max3A_543 = arith.constant dense<0xFF800000> : vector<1024xf32>
    %reduce_max3A_544 = vector.multi_reduction <maximumf>, %select_n3A_542, %reduce_max3A_543 [0] : vector<1024x1024xf32> to vector<1024xf32>
    %swap3A_545 = arith.constant 0 : index
    %swap3A_546 = arith.constant 0 : index
    %swap3A_547 = arith.constant 0 : index
    %swap3A_548 = vector.load %arg5[%swap3A_545, %swap3A_546, %swap3A_547] : memref<1x4x1024xf32, #tpu.memory_space<vmem>>, vector<1x1x1024xf32>
    %swap3A_549 = vector.shape_cast %swap3A_548 : vector<1x1x1024xf32> to vector<1024xf32>
    %swap3A_550 = vector.shape_cast %reduce_max3A_544 : vector<1024xf32> to vector<1x1x1024xf32>
    tpu.vector_store %arg5[%swap3A_545, %swap3A_546, %swap3A_547], %swap3A_550 {strides = array<i32>} : memref<1x4x1024xf32, #tpu.memory_space<vmem>>, vector<1x1x1024xf32>,
    %bitcast_convert_type3A_551 = tpu.bitcast %reduce_sum3A_45 : vector<1024xf32> -> vector<1024xi32>
    %ge3A_552 = arith.constant 0 : i32
    %ge3A_553 = vector.broadcast %ge3A_552 : i32 to vector<1024xi32>
    %ge3A_554 = arith.cmpi sge, %bitcast_convert_type3A_551, %ge3A_553 : vector<1024xi32>
    %xor3A_555 = arith.constant 2147483647 : i32
    %xor3A_556 = vector.broadcast %xor3A_555 : i32 to vector<1024xi32>
    %xor3A_557 = arith.xori %bitcast_convert_type3A_551, %xor3A_556 : vector<1024xi32>
    %select_n3A_558 = arith.select %ge3A_554, %bitcast_convert_type3A_551, %xor3A_557 : vector<1024xi1>, vector<1024xi32>
    %slice3A_559 = vector.extract_strided_slice %select_n3A_526 {offsets = [1, 0], sizes = [1, 1], strides = [1, 1]} : vector<4x1xi32> to vector<1x1xi32>
    %squeeze3A_560 = vector.extract %slice3A_559[0, 0] : i32 from vector<1x1xi32>
    %ge3A_561 = vector.broadcast %squeeze3A_560 : i32 to vector<1024xi32>
    %ge3A_562 = arith.cmpi sge, %select_n3A_558, %ge3A_561 : vector<1024xi32>
    %broadcast_in_dim3A_563 = vector.shape_cast %ge3A_562 : vector<1024xi1> to vector<1024x1xi1>
    %jit3A_564 = arith.constant 0xFF800000 : f32
    %broadcast_in_dim3A_565 = vector.shape_cast %broadcast_in_dim3A_563 : vector<1024x1xi1> to vector<1024x1xi1>
    %broadcast_in_dim3A_566 = vector.broadcast %broadcast_in_dim3A_565 : vector<1024x1xi1> to vector<1024x1024xi1>
    %broadcast_in_dim3A_567 = vector.broadcast %jit3A_564 : f32 to vector<1024x1024xf32>
    %select_n3A_568 = arith.select %broadcast_in_dim3A_566, %mul3A_43, %broadcast_in_dim3A_567 : vector<1024x1024xi1>, vector<1024x1024xf32>
    %reduce_max3A_569 = arith.constant dense<0xFF800000> : vector<1024xf32>
    %reduce_max3A_570 = vector.multi_reduction <maximumf>, %select_n3A_568, %reduce_max3A_569 [0] : vector<1024x1024xf32> to vector<1024xf32>
    %swap3A_571 = arith.constant 0 : index
    %swap3A_572 = arith.constant 1 : index
    %swap3A_573 = arith.constant 0 : index
    %swap3A_574 = vector.load %arg5[%swap3A_571, %swap3A_572, %swap3A_573] : memref<1x4x1024xf32, #tpu.memory_space<vmem>>, vector<1x1x1024xf32>
    %swap3A_575 = vector.shape_cast %swap3A_574 : vector<1x1x1024xf32> to vector<1024xf32>
    %swap3A_576 = vector.shape_cast %reduce_max3A_570 : vector<1024xf32> to vector<1x1x1024xf32>
    tpu.vector_store %arg5[%swap3A_571, %swap3A_572, %swap3A_573], %swap3A_576 {strides = array<i32>} : memref<1x4x1024xf32, #tpu.memory_space<vmem>>, vector<1x1x1024xf32>,
    %bitcast_convert_type3A_577 = tpu.bitcast %reduce_sum3A_68 : vector<1024xf32> -> vector<1024xi32>
    %ge3A_578 = arith.constant 0 : i32
    %ge3A_579 = vector.broadcast %ge3A_578 : i32 to vector<1024xi32>
    %ge3A_580 = arith.cmpi sge, %bitcast_convert_type3A_577, %ge3A_579 : vector<1024xi32>
    %xor3A_581 = arith.constant 2147483647 : i32
    %xor3A_582 = vector.broadcast %xor3A_581 : i32 to vector<1024xi32>
    %xor3A_583 = arith.xori %bitcast_convert_type3A_577, %xor3A_582 : vector<1024xi32>
    %select_n3A_584 = arith.select %ge3A_580, %bitcast_convert_type3A_577, %xor3A_583 : vector<1024xi1>, vector<1024xi32>
    %slice3A_585 = vector.extract_strided_slice %select_n3A_526 {offsets = [2, 0], sizes = [1, 1], strides = [1, 1]} : vector<4x1xi32> to vector<1x1xi32>
    %squeeze3A_586 = vector.extract %slice3A_585[0, 0] : i32 from vector<1x1xi32>
    %ge3A_587 = vector.broadcast %squeeze3A_586 : i32 to vector<1024xi32>
    %ge3A_588 = arith.cmpi sge, %select_n3A_584, %ge3A_587 : vector<1024xi32>
    %broadcast_in_dim3A_589 = vector.shape_cast %ge3A_588 : vector<1024xi1> to vector<1024x1xi1>
    %jit3A_590 = arith.constant 0xFF800000 : f32
    %broadcast_in_dim3A_591 = vector.shape_cast %broadcast_in_dim3A_589 : vector<1024x1xi1> to vector<1024x1xi1>
    %broadcast_in_dim3A_592 = vector.broadcast %broadcast_in_dim3A_591 : vector<1024x1xi1> to vector<1024x1024xi1>
    %broadcast_in_dim3A_593 = vector.broadcast %jit3A_590 : f32 to vector<1024x1024xf32>
    %select_n3A_594 = arith.select %broadcast_in_dim3A_592, %mul3A_66, %broadcast_in_dim3A_593 : vector<1024x1024xi1>, vector<1024x1024xf32>
    %reduce_max3A_595 = arith.constant dense<0xFF800000> : vector<1024xf32>
    %reduce_max3A_596 = vector.multi_reduction <maximumf>, %select_n3A_594, %reduce_max3A_595 [0] : vector<1024x1024xf32> to vector<1024xf32>
    %swap3A_597 = arith.constant 0 : index
    %swap3A_598 = arith.constant 2 : index
    %swap3A_599 = arith.constant 0 : index
    %swap3A_600 = vector.load %arg5[%swap3A_597, %swap3A_598, %swap3A_599] : memref<1x4x1024xf32, #tpu.memory_space<vmem>>, vector<1x1x1024xf32>
    %swap3A_601 = vector.shape_cast %swap3A_600 : vector<1x1x1024xf32> to vector<1024xf32>
    %swap3A_602 = vector.shape_cast %reduce_max3A_596 : vector<1024xf32> to vector<1x1x1024xf32>
    tpu.vector_store %arg5[%swap3A_597, %swap3A_598, %swap3A_599], %swap3A_602 {strides = array<i32>} : memref<1x4x1024xf32, #tpu.memory_space<vmem>>, vector<1x1x1024xf32>,
    %bitcast_convert_type3A_603 = tpu.bitcast %reduce_sum3A_91 : vector<1024xf32> -> vector<1024xi32>
    %ge3A_604 = arith.constant 0 : i32
    %ge3A_605 = vector.broadcast %ge3A_604 : i32 to vector<1024xi32>
    %ge3A_606 = arith.cmpi sge, %bitcast_convert_type3A_603, %ge3A_605 : vector<1024xi32>
    %xor3A_607 = arith.constant 2147483647 : i32
    %xor3A_608 = vector.broadcast %xor3A_607 : i32 to vector<1024xi32>
    %xor3A_609 = arith.xori %bitcast_convert_type3A_603, %xor3A_608 : vector<1024xi32>
    %select_n3A_610 = arith.select %ge3A_606, %bitcast_convert_type3A_603, %xor3A_609 : vector<1024xi1>, vector<1024xi32>
    %slice3A_611 = vector.extract_strided_slice %select_n3A_526 {offsets = [3, 0], sizes = [1, 1], strides = [1, 1]} : vector<4x1xi32> to vector<1x1xi32>
    %squeeze3A_612 = vector.extract %slice3A_611[0, 0] : i32 from vector<1x1xi32>
    %ge3A_613 = vector.broadcast %squeeze3A_612 : i32 to vector<1024xi32>
    %ge3A_614 = arith.cmpi sge, %select_n3A_610, %ge3A_613 : vector<1024xi32>
    %broadcast_in_dim3A_615 = vector.shape_cast %ge3A_614 : vector<1024xi1> to vector<1024x1xi1>
    %jit3A_616 = arith.constant 0xFF800000 : f32
    %broadcast_in_dim3A_617 = vector.shape_cast %broadcast_in_dim3A_615 : vector<1024x1xi1> to vector<1024x1xi1>
    %broadcast_in_dim3A_618 = vector.broadcast %broadcast_in_dim3A_617 : vector<1024x1xi1> to vector<1024x1024xi1>
    %broadcast_in_dim3A_619 = vector.broadcast %jit3A_616 : f32 to vector<1024x1024xf32>
    %select_n3A_620 = arith.select %broadcast_in_dim3A_618, %mul3A_89, %broadcast_in_dim3A_619 : vector<1024x1024xi1>, vector<1024x1024xf32>
    %reduce_max3A_621 = arith.constant dense<0xFF800000> : vector<1024xf32>
    %reduce_max3A_622 = vector.multi_reduction <maximumf>, %select_n3A_620, %reduce_max3A_621 [0] : vector<1024x1024xf32> to vector<1024xf32>
    %swap3A_623 = arith.constant 0 : index
    %swap3A_624 = arith.constant 3 : index
    %swap3A_625 = arith.constant 0 : index
    %swap3A_626 = vector.load %arg5[%swap3A_623, %swap3A_624, %swap3A_625] : memref<1x4x1024xf32, #tpu.memory_space<vmem>>, vector<1x1x1024xf32>
    %swap3A_627 = vector.shape_cast %swap3A_626 : vector<1x1x1024xf32> to vector<1024xf32>
    %swap3A_628 = vector.shape_cast %reduce_max3A_622 : vector<1024xf32> to vector<1x1x1024xf32>
    tpu.vector_store %arg5[%swap3A_623, %swap3A_624, %swap3A_625], %swap3A_628 {strides = array<i32>} : memref<1x4x1024xf32, #tpu.memory_space<vmem>>, vector<1x1x1024xf32>,
    return
  }
  func.func @transform_0(%arg0: i32) -> (i32, i32, i32) {
    %c0_i32 = arith.constant 0 : i32
    %c0_i32_0 = arith.constant 0 : i32
    %c0_i32_1 = arith.constant 0 : i32
    %c0_i32_2 = arith.constant 0 : i32
    return %c0_i32, %c0_i32_0, %c0_i32_1 : i32, i32, i32
  }
  func.func @transform_1(%arg0: i32) -> (i32, i32, i32) {
    %c0_i32 = arith.constant 0 : i32
    %c0_i32_0 = arith.constant 0 : i32
    %c0_i32_1 = arith.constant 0 : i32
    return %arg0, %c0_i32, %c0_i32_0 : i32, i32, i32
  }
  func.func @transform_2(%arg0: i32) -> (i32, i32, i32) {
    %c0_i32 = arith.constant 0 : i32
    %c0_i32_0 = arith.constant 0 : i32
    %c0_i32_1 = arith.constant 0 : i32
    return %arg0, %c0_i32, %c0_i32_0 : i32, i32, i32
  }
  func.func @transform_3(%arg0: i32) -> (i32, i32, i32) {
    %c0_i32 = arith.constant 0 : i32
    %c0_i32_0 = arith.constant 0 : i32
    %c0_i32_1 = arith.constant 0 : i32
    return %arg0, %c0_i32, %c0_i32_0 : i32, i32, i32
  }
  func.func @transform_4(%arg0: i32) -> (i32, i32, i32) {
    %c0_i32 = arith.constant 0 : i32
    %c0_i32_0 = arith.constant 0 : i32
    %c0_i32_1 = arith.constant 0 : i32
    return %arg0, %c0_i32, %c0_i32_0 : i32, i32, i32
  }
  func.func @transform_5(%arg0: i32) -> (i32, i32, i32) {
    %c0_i32 = arith.constant 0 : i32
    %c0_i32_0 = arith.constant 0 : i32
    %c0_i32_1 = arith.constant 0 : i32
    return %arg0, %c0_i32, %c0_i32_0 : i32, i32, i32
  }
}

</mosaic_0001>

<sc_bundles>
// kernel: kernel.4.cloned.1.call-start
scs
__scs_entry_jumppad:
0x0: {  	(pc) =	sbr.rel $0x88, $3  }
0x1: {  	(tag) =	ssettag $0x0;
	lr =	simm.s32 $0x1  }
0x2: {  	[smem:$0x3F9A] =	sst lr;
	_ =	strace $0xD0000000  }
0x3: {  	_ = 	snop  }
0x4: {  	_ = 	snop  }
0x5: {  	_ = 	snop  }
0x6: {  	_ = 	snop  }
0x7: {  	_ = 	snop  }
__scs_overlays_trampoline_lowered:
0x8: {  	[smem:$0x3FA9] =	sst s0  }
0x9: {  	[smem:$0x3FAA] =	sst s1  }
0xa: {  	[smem:$0x3FAB] =	sst s2  }
0xb: {  	[smem:$0x3FAC] =	sst s3  }
0xc: {  	[smem:$0x3FAD] =	sst s4  }
0xd: {  	[smem:$0x3FAE] =	sst s5  }
0xe: {  	[smem:$0x3FAF] =	sst s6  }
0xf: {  	[smem:$0x3FB0] =	sst s7  }
0x10: {  	[smem:$0x3FB1] =	sst s8  }
0x11: {  	[smem:$0x3FB2] =	sst s9;
	s0 =	simm.s32 @!p0 $0x0  }
0x12: {  	s1 =	sld [smem:$0x3F98];
	s0 =	simm.s32 @p0 $0x1  }
0x13: {  	[smem:$0x3FB3] =	sst s0;
	s0 =	simm.s32 @!p1 $0x0  }
0x14: {  	s2 =	sld [smem:$0x3F97];
	s0 =	simm.s32 @p1 $0x1  }
0x15: {  	[smem:$0x3FB4] =	sst s0;
	s0 =	simm.s32 @!p2 $0x0  }
0x16: {  	s3 =	sld [smem:$0x3FDB];
	s0 =	simm.s32 @p2 $0x1  }
0x17: {  	s4 =	simm.s32 $0x1BF5;
	[smem:$0x3FB6] =	sst s0  }
0x18: {  	s0 =	sld [smem:$0x3F99];
	_ =	swait.ge [sflag:s4], $0x0  }
0x19: {  	s7 =	sld [smem:$0x3F9A]  }
0x1a: {  	s8 =	sadd.s32 $0xFFFFE003, lr  }
0x1b: {  	s9 =	sadd.s32 $0xFFFFFEF7, lr;
	s5 =	simm.s32 $0xFFFFFFFF;
	p2 =	slt.u32 s8, $0xFFFFF086  }
0x1c: {  	p1 =	slt.u32 s9, $0xF7A;
	s5 =	simm.s32 @!p2 $0x0  }
0x1d: {  	s5 =	simm.s32 @p1 $0x1;
	p0 =	seq.s32 s7, s2  }
0x1e: {  	s7 =	smul.u32 @!p0 $0xF7A, s2;
	p2 =	seq.s32 @!p0 s5, $0x0  }
0x1f: {  	s9 =	smul.u32 $0xF7A, s1;
	s8 =	simm.s32 @!p0 $0x1BF5;
	p2 =	por !p2, p0  }
0x20: {  	[sflag:s8] =	ssyncset.s32 @!p0 $0xFFFFF086;
	s6 =	sadd.s32 @!p0 s3, s7;
	s7 =	simm.s32 @!p0 $0x108  }
0x21: {  	s3 =	sadd.s32 s3, s9;
	s6 =	sadd.s32 @!p0 $0x88, s6;
	s7 =	simm.s32 @p2 $0x1082  }
0x22: {  	[simem:s7], [sflag:s8] =	dma.local @!p0 [hbm:s6], $0xF7A  }
0x23: {  	s9 =	sor.u32 $0xD0000000, s2;
	s6 =	simm.s32 $0x108;
	_ =	swait.ge @!p0 [sflag:s8], $0x0  }
0x24: {  	s3 =	sadd.s32 $0x88, s3;
	s6 =	simm.s32 @!p1 $0x1082;
	[sflag:s4] =	ssyncset.s32 $0xFFFFF086  }
0x25: {  	[simem:s6], [sflag:s4] =	dma.local [hbm:s3], $0xF7A  }
0x26: {  	[smem:$0x3F9A] =	sst s1;
	(tag) =	ssettag s2;
	_ =	strace s9  }
0x27: {  	s1 =	sld [smem:$0x3FAA]  }
0x28: {  	s2 =	sld [smem:$0x3FAB]  }
0x29: {  	s4 =	sld [smem:$0x3FAD]  }
0x2a: {  	p0 =	seq.s32 s5, $0x0;
	s5 =	sld [smem:$0x3FAE]  }
0x2b: {  	s6 =	sld [smem:$0x3FAF]  }
0x2c: {  	s7 =	sld [smem:$0x3FB0]  }
0x2d: {  	s3 =	simm.s32 $0x108;
	s8 =	sld [smem:$0x3FB1]  }
0x2e: {  	s3 =	simm.s32 @!p0 $0x1082;
	s9 =	sld [smem:$0x3FB2]  }
0x2f: {  	lr =	sadd.s32 s0, s3;
	s0 =	sld [smem:$0x3FA9]  }
0x30: {  	s3 =	sld [smem:$0x3FAC]  }
0x31: {  	[smem:$0x3FB5] =	sst s10  }
0x32: {  	s10 =	sld [smem:$0x3FB3];
	_ =	sdelay $0x3  }
0x33: {  	p0 =	seq.s32 s10, $0x1;
	s10 =	sld [smem:$0x3FB5];
	_ =	sdelay $0x3  }
0x34: {  	[smem:$0x3FB5] =	sst s10  }
0x35: {  	s10 =	sld [smem:$0x3FB4];
	_ =	sdelay $0x3  }
0x36: {  	p1 =	seq.s32 s10, $0x1;
	s10 =	sld [smem:$0x3FB5];
	_ =	sdelay $0x3  }
0x37: {  	[smem:$0x3FB5] =	sst s10  }
0x38: {  	s10 =	sld [smem:$0x3FB6]  }
0x39: {  	_ = 	snop;
	(pc) =	sbr.ind lr, $3  }
0x3a: {  	_ = 	snop  }
0x3b: {  	_ = 	snop  }
0x3c: {  	p2 =	seq.s32 s10, $0x1;
	s10 =	sld [smem:$0x3FB5]  }
0x3d: {  	_ =	shalt  }
0x3e: {  	_ =	shalt  }
0x3f: {  	_ =	shalt  }
0x40: {  	_ =	shalt  }
0x41: {  	_ =	shalt  }
0x42: {  	_ =	shalt  }
0x43: {  	_ =	shalt  }
0x44: {  	_ =	shalt  }
0x45: {  	_ =	shalt  }
0x46: {  	_ =	shalt  }
0x47: {  	_ =	shalt  }
0x48: {  	_ =	shalt  }
0x49: {  	_ =	shalt  }
0x4a: {  	_ =	shalt  }
0x4b: {  	_ =	shalt  }
0x4c: {  	_ =	shalt  }
0x4d: {  	_ =	shalt  }
0x4e: {  	_ =	shalt  }
0x4f: {  	_ =	shalt  }
0x50: {  	_ =	shalt  }
0x51: {  	_ =	shalt  }
0x52: {  	_ =	shalt  }
0x53: {  	_ =	shalt  }
0x54: {  	_ =	shalt  }
0x55: {  	_ =	shalt  }
0x56: {  	_ =	shalt  }
0x57: {  	_ =	shalt  }
0x58: {  	_ =	shalt  }
0x59: {  	_ =	shalt  }
0x5a: {  	_ =	shalt  }
0x5b: {  	_ =	shalt  }
0x5c: {  	_ =	shalt  }
0x5d: {  	_ =	shalt  }
0x5e: {  	_ =	shalt  }
0x5f: {  	_ =	shalt  }
0x60: {  	_ =	shalt  }
0x61: {  	_ =	shalt  }
0x62: {  	_ =	shalt  }
0x63: {  	_ =	shalt  }
0x64: {  	_ =	shalt  }
0x65: {  	_ =	shalt  }
0x66: {  	_ =	shalt  }
0x67: {  	_ =	shalt  }
0x68: {  	_ =	shalt  }
0x69: {  	_ =	shalt  }
0x6a: {  	_ =	shalt  }
0x6b: {  	_ =	shalt  }
0x6c: {  	_ =	shalt  }
0x6d: {  	_ =	shalt  }
0x6e: {  	_ =	shalt  }
0x6f: {  	_ =	shalt  }
0x70: {  	_ =	shalt  }
0x71: {  	_ =	shalt  }
0x72: {  	_ =	shalt  }
0x73: {  	_ =	shalt  }
0x74: {  	_ =	shalt  }
0x75: {  	_ =	shalt  }
0x76: {  	_ =	shalt  }
0x77: {  	_ =	shalt  }
0x78: {  	_ =	shalt  }
0x79: {  	_ =	shalt  }
0x7a: {  	_ =	shalt  }
0x7b: {  	_ =	shalt  }
0x7c: {  	_ =	shalt  }
0x7d: {  	_ =	shalt  }
0x7e: {  	_ =	shalt  }
0x7f: {  	_ =	shalt  }
0x80: {  	_ =	shalt  }
0x81: {  	_ =	shalt  }
0x82: {  	_ =	shalt  }
0x83: {  	_ =	shalt  }
0x84: {  	_ =	shalt  }
0x85: {  	_ =	shalt  }
0x86: {  	_ =	shalt  }
0x87: {  	_ =	shalt  }
.Lfunc_end0:
.L_simem_size_0:
called_computation_lowered:
.L_overlay_start_0:
0x88: {  	s2 =	sld [smem:$0x3FD9]  }
0x89: {  	s3 =	sld [smem:$0x3FFE];
	_ =	sdelay $0x1  }
0x8a: {  	s1 =	srdreg.scid  }
0x8b: {  	s0 =	sand.u32 $0x1, s1  }
0x8c: {  	s14 =	sshll.u32 s0, $0xA;
	s2 =	sadd.s32 s3, s2  }
0x8d: {  	s2 =	sadd.s32 s2, s14  }
0x8e: {  	[smem:$0x3FC1] =	sst s2  }
0x8f: {  	_ = 	snop  }
0x90: {  	s2 =	sld [smem:$0x3FD0];
	_ =	sdelay $0x2  }
0x91: {  	s4 =	simm.s32 $0xA;
	s5 =	simm.s32 $0x10;
	s15 =	sld [smem:$0x3FC9]  }
0x92: {  	[smem:s5], [sflag:s4] =	dma.local [hbm:s2], $0x1  }
0x93: {  	_ =	swait.eq [sflag:s4], $0x1  }
0x94: {  	[sflag:s4] =	ssyncset.done $0x0  }
0x95: {  	[sflag:s4] =	ssyncadd.s32 $0xFFFFFFFF  }
0x96: {  	s16 =	sld [smem:$0x11];
	(tm) =	ssettm $0x1  }
0x97: {  	s17 =	sld [smem:$0x3FFB];
	_ =	sdelay $0x3  }
0x98: {  	_ =	strace s17  }
0x99: {  	s4 =	sld [smem:$0x3FFC];
	_ =	sdelay $0x3  }
0x9a: {  	_ =	strace s4  }
0x9b: {  	s4 =	sld [smem:$0x3FFD];
	_ =	sdelay $0x3  }
0x9c: {  	_ =	strace s4  }
0x9d: {  	_ =	strace $0x8FFFFFFF  }
0x9e: {  	s18 =	sld [smem:$0x3FDB];
	_ =	sdelay $0x1  }
0x9f: {  	s19 =	simm.s32 $_scs_section_size  }
0xa0: {  	s6 =	simm.s32 $_size__tile_overlayer_lowered;
	s7 =	simm.s32 $_tile_overlayer_lowered  }
0xa1: {  	s22 =	simm.s32 $0x1BFF;
	s21 =	sshll.u32 s7, $0x1;
	s4 =	sadd.s32 s19, s18  }
0xa2: {  	s8 =	simm.s32 $0x0;
	s20 =	sshll.u32 s6, $0x1;
	s6 =	sadd.s32 s21, s4  }
0xa3: {  	[timem:s8], [sflag:s22] =	dma.local [hbm:s6], s20  }
0xa4: {  	_ =	swait.ge [sflag:s22], s20  }
0xa5: {  	s5 =	ssub.s32 $0x0, s20;
	[sflag:s22] =	ssyncset.done $0x0  }
0xa6: {  	[sflag:s22] =	ssyncadd.s32 s5;
	_ =	sdelay $0x1  }
0xa7: {  	s23 =	simm.s32 $0x1B8B  }
0xa8: {  	_ =	swait.ge [sflag:s23], $0x1  }
0xa9: {  	[sflag:s23] =	ssyncset.done $0x0  }
0xaa: {  	s25 =	simm.s32 $0x1B8E;
	s24 =	sld [smem:$0x3FFE];
	[sflag:s23] =	ssyncadd.s32 $0xFFFFFFFF  }
0xab: {  	s26 =	simm.s32 $execute0_lowered;
	[smem:$0x3FD2] =	sst s25  }
0xac: {  	s6 =	sshll.u32 s26, $0x1;
	_ =	strace $0x80000046;
	[dreg:$0x1] =	wrdreg $0xFFFFFFFF  }
0xad: {  	s28 =	simm.s32 $_size_execute0_lowered;
	s4 =	sadd.s32 s4, s6;
	[dreg:$0x0] =	wrdreg $0x0  }
0xae: {  	s6 =	sshll.u32 s28, $0x1;
	[dreg:$0x2] =	wrdreg s4  }
0xaf: {  	[dreg:$0x3] =	wrdreg s6  }
0xb0: {  	[dreg:$0x4] =	wrdreg $0xC0  }
0xb1: {  	_ =	task [dreg:s8], $0x5FFFF  }
0xb2: {  	[dreg:$0x1] =	wrdreg $0xFFFFFFFF  }
0xb3: {  	[dreg:$0x0] =	wrdreg $0x60  }
0xb4: {  	[dreg:$0x2] =	wrdreg s15  }
0xb5: {  	[dreg:$0x3] =	wrdreg s16  }
0xb6: {  	[dreg:$0x4] =	wrdreg s24  }
0xb7: {  	[dreg:$0x5] =	wrdreg $0x9  }
0xb8: {  	_ =	task.clear_ibuf [dreg:s8], $0x6FFFF;
	_ =	strace $0x90000046  }
0xb9: {  	s29 =	simm.s32 $0x9;
	_ =	strace $0x80000048  }
0xba: {  	_ =	swait.ge [sflag:s29], $0x1  }
0xbb: {  	[sflag:s29] =	ssyncadd.s32 $0xFFFFFFFF  }
0xbc: {  	_ =	strace $0x90000048  }
0xbd: {  	_ =	sfence  }
0xbe: {  	s30 =	sld [smem:$0x0];
	_ =	sdelay $0x2  }
0xbf: {  	s31 =	sshll.u32 s1, $0xD;
	s1 =	sshrl.u32 s1, $0x2  }
0xc0: {  	s3 =	sand.u32 $0x4000, s31;
	s1 =	sadd.s32 s1, s30  }
0xc1: {  	s0 =	sor.u32 s3, s0;
	s1 =	sshll.u32 s1, $0x11  }
0xc2: {  	s0 =	sor.u32 s1, s0  }
0xc3: {  	s0 =	sadd.s32 $0x8F2B, s0  }
0xc4: {  	[sflag:s0] =	ssyncadd.remote.s32 $0x1  }
0xc5: {  	_ =	sfence.sel $0xFFFF  }
0xc6: {  	[dreg:$0x0] =	wrdreg $0xFFFFFFFF;
	(pc) =	sbr.abs _section_cstart, $3  }
0xc7: {  	[dreg:$0x1] =	wrdreg $0xFFFFFFFF  }
0xc8: {  	_ =	task.clear_ibuf [dreg:s8], $0x2FFFF;
	_ =	strace $0x9FFFFFFF  }
0xc9: {  	(tm) =	ssettm $0x7FFFFFFF  }
tec
execute0_lowered:
.L_overlay_start_1:
0x0: {  	(tag) =	ssettag $0x1  }
0x1: {  	s1 =	rddreg [dreg:$0x0]  }
0x2: {  	s0 =	srdreg.scid;
	s2 =	rddreg [dreg:$0x1]  }
0x3: {  	s3 =	stileid.u32;
	s7 =	rddreg [dreg:$0x2];
	s18 =	simm.s32 $0x1  }
0x4: {  	s20 =	simm.s32 $0x880;
	s21 =	simm.s32 $0x1080;
	s22 =	simm.s32 $0x1880  }
0x5: {  	s23 =	simm.s32 $0x2080;
	s24 =	simm.s32 $0x2880;
	s28 =	simm.s32 $0x4080  }
0x6: {  	s29 =	simm.s32 $0x4880;
	s30 =	simm.s32 $0x5080;
	s31 =	simm.s32 $0x5880  }
0x7: {  	s10 =	simm.s32 $0x7080;
	s11 =	simm.s32 $0x7880;
	s12 =	simm.s32 $0x8080  }
0x8: {  	s13 =	simm.s32 $0x8880;
	s14 =	simm.s32 $0x9080;
	s15 =	simm.s32 $0x9880  }
0x9: {  	s16 =	simm.s32 $0xA080;
	s17 =	simm.s32 $0xA880;
	s0 =	sand.u32 $0x1, s0  }
0xa: {  	s4 =	sshll.u32 s3, $0x8;
	s3 =	simm.s32 $0x0;
	s5 =	sshll.u32 s0, $0x7  }
0xb: {  	[smem:$0x7FF] =	sst s3;
	s0 =	ssub.s32 $0x2, s0;
	s5 =	sor.u32 s5, s4  }
0xc: {  	_ =	strace $0x80000047;
	s6 =	sshrl.u32 s0, $0x1;
	s4 =	sshrl.u32 s5, $0x3  }
0xd: {  	s0 =	ssub.s32 s0, s6;
	s25 =	sshll.u32 s5, $0x7;
	s8 =	sor.u32 $0x40, s5  }
0xe: {  	s5 =	sadd.s32 $0x200, s1;
	s4 =	sadd.s32 s2, s4;
	s6 =	sadd.s32 s7, s25  }
0xf: {  	s9 =	sshrl.u32 s8, $0x3;
	s8 =	sshll.u32 s8, $0x7;
	[dreg:$0x4] =	wrdreg s4  }
0x10: {  	s25 =	simm.s32 $0x3080;
	s4 =	sadd.s32 $0x100, s1;
	[dreg:$0x5] =	wrdreg s6  }
0x11: {  	v2 =	vlaneseq.u32;
	s2 =	sadd.s32 s2, s9;
	s6 =	sadd.s32 $0x300, s1;
	s26 =	sadd.s32 s7, s8  }
0x12: {  	vm0 =	vmmov $0xffff;
	v1 =	vshrl.u32 v2, $0x3;
	s7 =	smax.u32 s0, $0x1;
	s8 =	simm.s32 $0x2;
	[dreg:$0x6] =	wrdreg s2  }
0x13: {  	v0 =	vand.u32 $0x7, v2;
	v2 =	vor.u32 $0x8, v2;
	v1 =	vmul.u32 $0x8, v1;
	s0 =	simm.s32 $0x80;
	[dreg:$0x7] =	wrdreg s26;
	s26 =	simm.s32 $0x3880  }
.LBB2_1:
0x14: {  	s19 =	rddreg [dreg:$0x4]  }
0x15: {  	[tilespmem:s3], [sflag:$0x2] =	stream.linear.gather [hbm4b:s19+s3], $0x40, $0x38;
	[tilespmem:$0x10080] =	vst v63  }
0x16: {  	_ =	swait.ge [sflag:s8], $0x40  }
0x17: {  	[sflag:s8] =	ssyncset.done $0x0  }
0x18: {  	[sflag:s8] =	ssyncadd.s32 $0xFFFFFFC0  }
0x19: {  	v3 =	vld [tilespmem:$0x0];
	_ =	sdelay $0x4  }
0x1a: {  	v4 =	vshll.u32 v3, $0x3  }
0x1b: {  	v3 =	vand.u32 $0x7, v3;
	v4 =	vand.u32 $0xFFFFFFC0, v4  }
0x1c: {  	v3 =	vor.u32 v3, v4  }
0x1d: {  	v4 =	vperm.xlane v3, v0;
	_ =	sdelay $0x1  }
0x1e: {  	v4 =	vadd.s32 v1, v4;
	_ =	sdelay $0x4  }
0x1f: {  	[tilespmem:s0], [sflag:$0x1] =	stream.indirect_vreg.gather [hbm4b:s1+s3], $0x80, v4, vm0, $0xb8;
	[tilespmem:$0x10080] =	vst v63  }
0x20: {  	v3 =	vperm.xlane v3, v2  }
0x21: {  	[tilespmem:s20], [sflag:$0x1] =	stream.indirect_vreg.gather [hbm4b:s4+s3], $0x80, v4, vm0, $0xb8;
	[tilespmem:$0x10080] =	vst v63  }
0x22: {  	v3 =	vadd.s32 v1, v3  }
0x23: {  	[tilespmem:s21], [sflag:$0x1] =	stream.indirect_vreg.gather [hbm4b:s5+s3], $0x80, v4, vm0, $0xb8;
	[tilespmem:$0x10080] =	vst v63  }
0x24: {  	_ = 	snop  }
0x25: {  	[tilespmem:s22], [sflag:$0x1] =	stream.indirect_vreg.gather [hbm4b:s6+s3], $0x80, v4, vm0, $0xb8;
	[tilespmem:$0x10080] =	vst v63  }
0x26: {  	_ = 	snop  }
0x27: {  	[tilespmem:s23], [sflag:$0x1] =	stream.indirect_vreg.gather [hbm4b:s1+s3], $0x80, v3, vm0, $0xb8;
	[tilespmem:$0x10080] =	vst v63  }
0x28: {  	_ = 	snop  }
0x29: {  	[tilespmem:s24], [sflag:$0x1] =	stream.indirect_vreg.gather [hbm4b:s4+s3], $0x80, v3, vm0, $0xb8;
	[tilespmem:$0x10080] =	vst v63  }
0x2a: {  	_ = 	snop  }
0x2b: {  	[tilespmem:s25], [sflag:$0x1] =	stream.indirect_vreg.gather [hbm4b:s5+s3], $0x80, v3, vm0, $0xb8;
	[tilespmem:$0x10080] =	vst v63  }
0x2c: {  	_ = 	snop  }
0x2d: {  	[tilespmem:s26], [sflag:$0x1] =	stream.indirect_vreg.gather [hbm4b:s6+s3], $0x80, v3, vm0, $0xb8;
	[tilespmem:$0x10080] =	vst v63  }
0x2e: {  	v3 =	vld [tilespmem:$0x10];
	_ =	sdelay $0x4  }
0x2f: {  	v57 =	vshll.u32 v3, $0x3  }
0x30: {  	v3 =	vand.u32 $0x7, v3;
	v4 =	vand.u32 $0xFFFFFFC0, v57  }
0x31: {  	v3 =	vor.u32 v3, v4  }
0x32: {  	v4 =	vperm.xlane v3, v0;
	_ =	sdelay $0x1  }
0x33: {  	v4 =	vadd.s32 v1, v4;
	_ =	sdelay $0x4  }
0x34: {  	[tilespmem:s28], [sflag:$0x1] =	stream.indirect_vreg.gather [hbm4b:s1+s3], $0x80, v4, vm0, $0xb8;
	[tilespmem:$0x10080] =	vst v63  }
0x35: {  	v3 =	vperm.xlane v3, v2  }
0x36: {  	[tilespmem:s29], [sflag:$0x1] =	stream.indirect_vreg.gather [hbm4b:s4+s3], $0x80, v4, vm0, $0xb8;
	[tilespmem:$0x10080] =	vst v63  }
0x37: {  	v3 =	vadd.s32 v1, v3  }
0x38: {  	[tilespmem:s30], [sflag:$0x1] =	stream.indirect_vreg.gather [hbm4b:s5+s3], $0x80, v4, vm0, $0xb8;
	[tilespmem:$0x10080] =	vst v63  }
0x39: {  	_ = 	snop  }
0x3a: {  	[tilespmem:s31], [sflag:$0x1] =	stream.indirect_vreg.gather [hbm4b:s6+s3], $0x80, v4, vm0, $0xb8;
	[tilespmem:$0x10080] =	vst v63  }
0x3b: {  	s2 =	simm.s32 $0x6080  }
0x3c: {  	[tilespmem:s2], [sflag:$0x1] =	stream.indirect_vreg.gather [hbm4b:s1+s3], $0x80, v3, vm0, $0xb8;
	[tilespmem:$0x10080] =	vst v63  }
0x3d: {  	s9 =	simm.s32 $0x6880  }
0x3e: {  	[tilespmem:s9], [sflag:$0x1] =	stream.indirect_vreg.gather [hbm4b:s4+s3], $0x80, v3, vm0, $0xb8;
	[tilespmem:$0x10080] =	vst v63  }
0x3f: {  	_ = 	snop  }
0x40: {  	[tilespmem:s10], [sflag:$0x1] =	stream.indirect_vreg.gather [hbm4b:s5+s3], $0x80, v3, vm0, $0xb8;
	[tilespmem:$0x10080] =	vst v63  }
0x41: {  	_ = 	snop  }
0x42: {  	[tilespmem:s11], [sflag:$0x1] =	stream.indirect_vreg.gather [hbm4b:s6+s3], $0x80, v3, vm0, $0xb8;
	[tilespmem:$0x10080] =	vst v63  }
0x43: {  	v3 =	vld [tilespmem:$0x20];
	_ =	sdelay $0x4  }
0x44: {  	v58 =	vshll.u32 v3, $0x3  }
0x45: {  	v3 =	vand.u32 $0x7, v3;
	v4 =	vand.u32 $0xFFFFFFC0, v58  }
0x46: {  	v3 =	vor.u32 v3, v4  }
0x47: {  	v4 =	vperm.xlane v3, v0;
	_ =	sdelay $0x1  }
0x48: {  	v4 =	vadd.s32 v1, v4;
	_ =	sdelay $0x4  }
0x49: {  	[tilespmem:s12], [sflag:$0x1] =	stream.indirect_vreg.gather [hbm4b:s1+s3], $0x80, v4, vm0, $0xb8;
	[tilespmem:$0x10080] =	vst v63  }
0x4a: {  	v3 =	vperm.xlane v3, v2  }
0x4b: {  	[tilespmem:s13], [sflag:$0x1] =	stream.indirect_vreg.gather [hbm4b:s4+s3], $0x80, v4, vm0, $0xb8;
	[tilespmem:$0x10080] =	vst v63  }
0x4c: {  	v3 =	vadd.s32 v1, v3  }
0x4d: {  	[tilespmem:s14], [sflag:$0x1] =	stream.indirect_vreg.gather [hbm4b:s5+s3], $0x80, v4, vm0, $0xb8;
	[tilespmem:$0x10080] =	vst v63  }
0x4e: {  	_ = 	snop  }
0x4f: {  	[tilespmem:s15], [sflag:$0x1] =	stream.indirect_vreg.gather [hbm4b:s6+s3], $0x80, v4, vm0, $0xb8;
	[tilespmem:$0x10080] =	vst v63  }
0x50: {  	_ = 	snop  }
0x51: {  	[tilespmem:s16], [sflag:$0x1] =	stream.indirect_vreg.gather [hbm4b:s1+s3], $0x80, v3, vm0, $0xb8;
	[tilespmem:$0x10080] =	vst v63  }
0x52: {  	_ = 	snop  }
0x53: {  	[tilespmem:s17], [sflag:$0x1] =	stream.indirect_vreg.gather [hbm4b:s4+s3], $0x80, v3, vm0, $0xb8;
	[tilespmem:$0x10080] =	vst v63  }
0x54: {  	s9 =	simm.s32 $0xB080  }
0x55: {  	[tilespmem:s9], [sflag:$0x1] =	stream.indirect_vreg.gather [hbm4b:s5+s3], $0x80, v3, vm0, $0xb8;
	[tilespmem:$0x10080] =	vst v63  }
0x56: {  	s19 =	simm.s32 $0xB880  }
0x57: {  	[tilespmem:s19], [sflag:$0x1] =	stream.indirect_vreg.gather [hbm4b:s6+s3], $0x80, v3, vm0, $0xb8;
	[tilespmem:$0x10080] =	vst v63  }
0x58: {  	v3 =	vld [tilespmem:$0x30];
	_ =	sdelay $0x4  }
0x59: {  	v59 =	vshll.u32 v3, $0x3  }
0x5a: {  	v3 =	vand.u32 $0x7, v3;
	v4 =	vand.u32 $0xFFFFFFC0, v59  }
0x5b: {  	v3 =	vor.u32 v3, v4  }
0x5c: {  	v4 =	vperm.xlane v3, v0;
	_ =	sdelay $0x1  }
0x5d: {  	v4 =	vadd.s32 v1, v4;
	_ =	sdelay $0x3  }
0x5e: {  	s19 =	simm.s32 $0xC080  }
0x5f: {  	[tilespmem:s19], [sflag:$0x1] =	stream.indirect_vreg.gather [hbm4b:s1+s3], $0x80, v4, vm0, $0xb8;
	[tilespmem:$0x10080] =	vst v63  }
0x60: {  	v3 =	vperm.xlane v3, v2;
	s19 =	simm.s32 $0xC880  }
0x61: {  	[tilespmem:s19], [sflag:$0x1] =	stream.indirect_vreg.gather [hbm4b:s4+s3], $0x80, v4, vm0, $0xb8;
	[tilespmem:$0x10080] =	vst v63  }
0x62: {  	v3 =	vadd.s32 v1, v3;
	s19 =	simm.s32 $0xD080  }
0x63: {  	[tilespmem:s19], [sflag:$0x1] =	stream.indirect_vreg.gather [hbm4b:s5+s3], $0x80, v4, vm0, $0xb8;
	[tilespmem:$0x10080] =	vst v63  }
0x64: {  	s19 =	simm.s32 $0xD880  }
0x65: {  	[tilespmem:s19], [sflag:$0x1] =	stream.indirect_vreg.gather [hbm4b:s6+s3], $0x80, v4, vm0, $0xb8;
	[tilespmem:$0x10080] =	vst v63  }
0x66: {  	s19 =	simm.s32 $0xE080  }
0x67: {  	[tilespmem:s19], [sflag:$0x1] =	stream.indirect_vreg.gather [hbm4b:s1+s3], $0x80, v3, vm0, $0xb8;
	[tilespmem:$0x10080] =	vst v63  }
0x68: {  	s19 =	simm.s32 $0xE880  }
0x69: {  	[tilespmem:s19], [sflag:$0x1] =	stream.indirect_vreg.gather [hbm4b:s4+s3], $0x80, v3, vm0, $0xb8;
	[tilespmem:$0x10080] =	vst v63  }
0x6a: {  	s19 =	simm.s32 $0xF080  }
0x6b: {  	[tilespmem:s19], [sflag:$0x1] =	stream.indirect_vreg.gather [hbm4b:s5+s3], $0x80, v3, vm0, $0xb8;
	[tilespmem:$0x10080] =	vst v63  }
0x6c: {  	s19 =	simm.s32 $0xF880  }
0x6d: {  	[tilespmem:s19], [sflag:$0x1] =	stream.indirect_vreg.gather [hbm4b:s6+s3], $0x80, v3, vm0, $0xb8;
	[tilespmem:$0x10080] =	vst v63  }
0x6e: {  	_ =	swait.ge [sflag:s18], $0x10000  }
0x6f: {  	[sflag:s18] =	ssyncset.done $0x0  }
0x70: {  	s19 =	rddreg [dreg:$0x5];
	[sflag:s18] =	ssyncadd.s32 $0xFFFF0000  }
0x71: {  	[hbm4b:s19+s3] =	stream.linear.scatter [tilespmem:s0], [sflag:$0x2], $0x10000, $0x38;
	[tilespmem:$0x10080] =	vst v63  }
0x72: {  	_ =	swait.ge [sflag:s8], $0x10000  }
0x73: {  	[sflag:s8] =	ssyncset.done $0x0  }
0x74: {  	s19 =	rddreg [dreg:$0x6];
	[sflag:s8] =	ssyncadd.s32 $0xFFFF0000  }
0x75: {  	[tilespmem:s3], [sflag:$0x2] =	stream.linear.gather [hbm4b:s19+s3], $0x40, $0x38;
	[tilespmem:$0x10080] =	vst v63  }
0x76: {  	_ =	swait.ge [sflag:s8], $0x40  }
0x77: {  	[sflag:s8] =	ssyncset.done $0x0  }
0x78: {  	[sflag:s8] =	ssyncadd.s32 $0xFFFFFFC0  }
0x79: {  	v3 =	vld [tilespmem:$0x0];
	_ =	sdelay $0x4  }
0x7a: {  	v60 =	vshll.u32 v3, $0x3  }
0x7b: {  	v3 =	vand.u32 $0x7, v3;
	v4 =	vand.u32 $0xFFFFFFC0, v60  }
0x7c: {  	v3 =	vor.u32 v3, v4  }
0x7d: {  	v4 =	vperm.xlane v3, v0;
	_ =	sdelay $0x1  }
0x7e: {  	v4 =	vadd.s32 v1, v4;
	_ =	sdelay $0x4  }
0x7f: {  	[tilespmem:s0], [sflag:$0x1] =	stream.indirect_vreg.gather [hbm4b:s1+s3], $0x80, v4, vm0, $0xb8;
	[tilespmem:$0x10080] =	vst v63  }
0x80: {  	v3 =	vperm.xlane v3, v2  }
0x81: {  	[tilespmem:s20], [sflag:$0x1] =	stream.indirect_vreg.gather [hbm4b:s4+s3], $0x80, v4, vm0, $0xb8;
	[tilespmem:$0x10080] =	vst v63  }
0x82: {  	v3 =	vadd.s32 v1, v3  }
0x83: {  	[tilespmem:s21], [sflag:$0x1] =	stream.indirect_vreg.gather [hbm4b:s5+s3], $0x80, v4, vm0, $0xb8;
	[tilespmem:$0x10080] =	vst v63  }
0x84: {  	_ = 	snop  }
0x85: {  	[tilespmem:s22], [sflag:$0x1] =	stream.indirect_vreg.gather [hbm4b:s6+s3], $0x80, v4, vm0, $0xb8;
	[tilespmem:$0x10080] =	vst v63  }
0x86: {  	_ = 	snop  }
0x87: {  	[tilespmem:s23], [sflag:$0x1] =	stream.indirect_vreg.gather [hbm4b:s1+s3], $0x80, v3, vm0, $0xb8;
	[tilespmem:$0x10080] =	vst v63  }
0x88: {  	_ = 	snop  }
0x89: {  	[tilespmem:s24], [sflag:$0x1] =	stream.indirect_vreg.gather [hbm4b:s4+s3], $0x80, v3, vm0, $0xb8;
	[tilespmem:$0x10080] =	vst v63  }
0x8a: {  	_ = 	snop  }
0x8b: {  	[tilespmem:s25], [sflag:$0x1] =	stream.indirect_vreg.gather [hbm4b:s5+s3], $0x80, v3, vm0, $0xb8;
	[tilespmem:$0x10080] =	vst v63  }
0x8c: {  	_ = 	snop  }
0x8d: {  	[tilespmem:s26], [sflag:$0x1] =	stream.indirect_vreg.gather [hbm4b:s6+s3], $0x80, v3, vm0, $0xb8;
	[tilespmem:$0x10080] =	vst v63  }
0x8e: {  	v3 =	vld [tilespmem:$0x10];
	_ =	sdelay $0x4  }
0x8f: {  	v61 =	vshll.u32 v3, $0x3  }
0x90: {  	v3 =	vand.u32 $0x7, v3;
	v4 =	vand.u32 $0xFFFFFFC0, v61  }
0x91: {  	v3 =	vor.u32 v3, v4  }
0x92: {  	v4 =	vperm.xlane v3, v0;
	_ =	sdelay $0x1  }
0x93: {  	v4 =	vadd.s32 v1, v4;
	_ =	sdelay $0x4  }
0x94: {  	[tilespmem:s28], [sflag:$0x1] =	stream.indirect_vreg.gather [hbm4b:s1+s3], $0x80, v4, vm0, $0xb8;
	[tilespmem:$0x10080] =	vst v63  }
0x95: {  	v3 =	vperm.xlane v3, v2  }
0x96: {  	[tilespmem:s29], [sflag:$0x1] =	stream.indirect_vreg.gather [hbm4b:s4+s3], $0x80, v4, vm0, $0xb8;
	[tilespmem:$0x10080] =	vst v63  }
0x97: {  	v3 =	vadd.s32 v1, v3  }
0x98: {  	[tilespmem:s30], [sflag:$0x1] =	stream.indirect_vreg.gather [hbm4b:s5+s3], $0x80, v4, vm0, $0xb8;
	[tilespmem:$0x10080] =	vst v63  }
0x99: {  	_ = 	snop  }
0x9a: {  	[tilespmem:s31], [sflag:$0x1] =	stream.indirect_vreg.gather [hbm4b:s6+s3], $0x80, v4, vm0, $0xb8;
	[tilespmem:$0x10080] =	vst v63  }
0x9b: {  	_ = 	snop  }
0x9c: {  	[tilespmem:s2], [sflag:$0x1] =	stream.indirect_vreg.gather [hbm4b:s1+s3], $0x80, v3, vm0, $0xb8;
	[tilespmem:$0x10080] =	vst v63  }
0x9d: {  	s19 =	simm.s32 $0x6880  }
0x9e: {  	[tilespmem:s19], [sflag:$0x1] =	stream.indirect_vreg.gather [hbm4b:s4+s3], $0x80, v3, vm0, $0xb8;
	[tilespmem:$0x10080] =	vst v63  }
0x9f: {  	_ = 	snop  }
0xa0: {  	[tilespmem:s10], [sflag:$0x1] =	stream.indirect_vreg.gather [hbm4b:s5+s3], $0x80, v3, vm0, $0xb8;
	[tilespmem:$0x10080] =	vst v63  }
0xa1: {  	_ = 	snop  }
0xa2: {  	[tilespmem:s11], [sflag:$0x1] =	stream.indirect_vreg.gather [hbm4b:s6+s3], $0x80, v3, vm0, $0xb8;
	[tilespmem:$0x10080] =	vst v63  }
0xa3: {  	v3 =	vld [tilespmem:$0x20];
	_ =	sdelay $0x4  }
0xa4: {  	v62 =	vshll.u32 v3, $0x3  }
0xa5: {  	v3 =	vand.u32 $0x7, v3;
	v4 =	vand.u32 $0xFFFFFFC0, v62  }
0xa6: {  	v3 =	vor.u32 v3, v4  }
0xa7: {  	v4 =	vperm.xlane v3, v0;
	_ =	sdelay $0x1  }
0xa8: {  	v4 =	vadd.s32 v1, v4;
	_ =	sdelay $0x4  }
0xa9: {  	[tilespmem:s12], [sflag:$0x1] =	stream.indirect_vreg.gather [hbm4b:s1+s3], $0x80, v4, vm0, $0xb8;
	[tilespmem:$0x10080] =	vst v63  }
0xaa: {  	v3 =	vperm.xlane v3, v2  }
0xab: {  	[tilespmem:s13], [sflag:$0x1] =	stream.indirect_vreg.gather [hbm4b:s4+s3], $0x80, v4, vm0, $0xb8;
	[tilespmem:$0x10080] =	vst v63  }
0xac: {  	v3 =	vadd.s32 v1, v3  }
0xad: {  	[tilespmem:s14], [sflag:$0x1] =	stream.indirect_vreg.gather [hbm4b:s5+s3], $0x80, v4, vm0, $0xb8;
	[tilespmem:$0x10080] =	vst v63  }
0xae: {  	_ = 	snop  }
0xaf: {  	[tilespmem:s15], [sflag:$0x1] =	stream.indirect_vreg.gather [hbm4b:s6+s3], $0x80, v4, vm0, $0xb8;
	[tilespmem:$0x10080] =	vst v63  }
0xb0: {  	_ = 	snop  }
0xb1: {  	[tilespmem:s16], [sflag:$0x1] =	stream.indirect_vreg.gather [hbm4b:s1+s3], $0x80, v3, vm0, $0xb8;
	[tilespmem:$0x10080] =	vst v63  }
0xb2: {  	_ = 	snop  }
0xb3: {  	[tilespmem:s17], [sflag:$0x1] =	stream.indirect_vreg.gather [hbm4b:s4+s3], $0x80, v3, vm0, $0xb8;
	[tilespmem:$0x10080] =	vst v63  }
0xb4: {  	_ = 	snop  }
0xb5: {  	[tilespmem:s9], [sflag:$0x1] =	stream.indirect_vreg.gather [hbm4b:s5+s3], $0x80, v3, vm0, $0xb8;
	[tilespmem:$0x10080] =	vst v63  }
0xb6: {  	s19 =	simm.s32 $0xB880  }
0xb7: {  	[tilespmem:s19], [sflag:$0x1] =	stream.indirect_vreg.gather [hbm4b:s6+s3], $0x80, v3, vm0, $0xb8;
	[tilespmem:$0x10080] =	vst v63  }
0xb8: {  	v3 =	vld [tilespmem:$0x30];
	_ =	sdelay $0x4  }
0xb9: {  	v63 =	vshll.u32 v3, $0x3  }
0xba: {  	v3 =	vand.u32 $0x7, v3;
	v4 =	vand.u32 $0xFFFFFFC0, v63  }
0xbb: {  	v3 =	vor.u32 v3, v4  }
0xbc: {  	v4 =	vperm.xlane v3, v0;
	_ =	sdelay $0x1  }
0xbd: {  	v4 =	vadd.s32 v1, v4;
	_ =	sdelay $0x3  }
0xbe: {  	s9 =	simm.s32 $0xC080  }
0xbf: {  	[tilespmem:s9], [sflag:$0x1] =	stream.indirect_vreg.gather [hbm4b:s1+s3], $0x80, v4, vm0, $0xb8;
	[tilespmem:$0x10080] =	vst v63  }
0xc0: {  	s19 =	simm.s32 $0xC880;
	v3 =	vperm.xlane v3, v2  }
0xc1: {  	[tilespmem:s19], [sflag:$0x1] =	stream.indirect_vreg.gather [hbm4b:s4+s3], $0x80, v4, vm0, $0xb8;
	[tilespmem:$0x10080] =	vst v63  }
0xc2: {  	v3 =	vadd.s32 v1, v3;
	s9 =	simm.s32 $0xD080  }
0xc3: {  	[tilespmem:s9], [sflag:$0x1] =	stream.indirect_vreg.gather [hbm4b:s5+s3], $0x80, v4, vm0, $0xb8;
	[tilespmem:$0x10080] =	vst v63  }
0xc4: {  	s19 =	simm.s32 $0xD880  }
0xc5: {  	[tilespmem:s19], [sflag:$0x1] =	stream.indirect_vreg.gather [hbm4b:s6+s3], $0x80, v4, vm0, $0xb8;
	[tilespmem:$0x10080] =	vst v63  }
0xc6: {  	s9 =	simm.s32 $0xE080  }
0xc7: {  	[tilespmem:s9], [sflag:$0x1] =	stream.indirect_vreg.gather [hbm4b:s1+s3], $0x80, v3, vm0, $0xb8;
	[tilespmem:$0x10080] =	vst v63  }
0xc8: {  	s19 =	simm.s32 $0xE880  }
0xc9: {  	[tilespmem:s19], [sflag:$0x1] =	stream.indirect_vreg.gather [hbm4b:s4+s3], $0x80, v3, vm0, $0xb8;
	[tilespmem:$0x10080] =	vst v63  }
0xca: {  	s9 =	simm.s32 $0xF080  }
0xcb: {  	[tilespmem:s9], [sflag:$0x1] =	stream.indirect_vreg.gather [hbm4b:s5+s3], $0x80, v3, vm0, $0xb8;
	[tilespmem:$0x10080] =	vst v63  }
0xcc: {  	s19 =	simm.s32 $0xF880  }
0xcd: {  	[tilespmem:s19], [sflag:$0x1] =	stream.indirect_vreg.gather [hbm4b:s6+s3], $0x80, v3, vm0, $0xb8;
	[tilespmem:$0x10080] =	vst v63  }
0xce: {  	_ =	swait.ge [sflag:s18], $0x10000  }
0xcf: {  	p0 =	sne.s32 s7, $0x1;
	[sflag:s18] =	ssyncset.done $0x0  }
.Ltmp0:
0xd0: {  	s9 =	rddreg [dreg:$0x7];
	[sflag:s18] =	ssyncadd.s32 $0xFFFF0000;
	(pc) =	sbr.rel @p0 .LBB2_1-.Ltmp0, $4  }
0xd1: {  	[hbm4b:s9+s3] =	stream.linear.scatter [tilespmem:s0], [sflag:$0x2], $0x10000, $0x38;
	[tilespmem:$0x10080] =	vst v63  }
0xd2: {  	_ =	swait.ge [sflag:s8], $0x10000  }
0xd3: {  	[sflag:s8] =	ssyncset.done $0x0  }
0xd4: {  	s7 =	sadd.s32 $0xFFFFFFFF, s7;
	[sflag:s8] =	ssyncadd.s32 $0xFFFF0000  }
0xd5: {  	_ =	sfence.sel $0x180000  }
0xd6: {  	[bflag:$0x0] =	sbarrier.arrive $0xFFFF  }
0xd7: {  	_ =	strace $0x90000047  }
0xd8: {  	s0 =	stileid.u32;
	[bflag:$0x2] =	sbarrier.arrive $0xFFFF  }
0xd9: {  	p0 =	sne.s32 s0, $0x0;
	s0 =	rddreg [dreg:$0x3]  }
0xda: {  	s0 =	sadd.s32 @!p0 $0x100000, s0  }
0xdb: {  	[sflag:s0] =	ssyncadd.tile.s32 @!p0 $0x1;
	_ =	shalt  }
.Lfunc_end2:
_tile_overlayer_lowered:
.L_overlay_start_2:
0xdc: {  	(tag) =	ssettag $0x2  }
0xdd: {  	s0 =	rddreg [dreg:$0x0];
	s2 =	stileid.u32  }
0xde: {  	s1 =	rddreg [dreg:$0x1];
	p0 =	sne.s32 s2, $0x0  }
0xdf: {  	s3 =	rddreg [dreg:$0x2];
	[bflag:$0x3] =	sbarrier.arrive $0xFFFF;
	s2 =	simm.s32 @!p0 $0x1C02  }
0xe0: {  	[timem:s3], [sflag:s2] =	dma.local @!p0 [hbm:s0], s1  }
0xe1: {  	s0 =	simm.s32 @!p0 $0x2  }
0xe2: {  	_ =	swait.ge @!p0 [sflag:s0], s1  }
0xe3: {  	s1 =	ssub.s32 @!p0 $0x0, s1;
	[sflag:s0] =	ssyncset.done @!p0 $0x0  }
0xe4: {  	[sflag:s0] =	ssyncadd.s32 @!p0 s1  }
0xe5: {  	[bflag:$0x3] =	sbarrier.arrive $0xFFFF  }
0xe6: {  	_ =	shalt  }

</sc_bundles>
